<compile_context>
chip_gen: v7x
topology: tpu7x:2x2x1
jax: 0.10.2.dev20260603
libtpu: 0.0.44.dev20260713+nightly
codegen_flags: <defaults>
</compile_context>

<pallas_src>
import functools

import jax
import jax.numpy as jnp
from jax import lax
from jax.experimental import pallas as pl
from jax.experimental.pallas import tpu as pltpu
from jax.experimental.pallas import tpu_sc as plsc

B = 4096
L = 200
D = 64
LP = L + 2
NC, NS = 2, 16
NW = NC * NS
SEQ_PER_W = B // NW
C = 4
G = SEQ_PER_W // C
W0, W1 = 104, 96


def _make_gather():
    mesh = plsc.VectorSubcoreMesh(core_axis_name="c", subcore_axis_name="s")

    @functools.partial(
        pl.kernel,
        out_type=jax.ShapeDtypeStruct((B, LP, D), jnp.float32),
        mesh=mesh,
        scratch_types=[
            pltpu.VMEM((2 * C, W0), jnp.int32),
            pltpu.VMEM((C, LP, D), jnp.float32),
            pltpu.VMEM((C, LP, D), jnp.float32),
            pltpu.SemaphoreType.DMA,
            pltpu.SemaphoreType.DMA,
            pltpu.SemaphoreType.DMA,
        ],
        compiler_params=pltpu.CompilerParams(use_tc_tiling_on_sc=False),
    )
    def gather_kernel(idx_hbm, table_hbm, out_hbm,
                      idx_v, pad0, pad1, gsem, wsem0, wsem1):
        wid = lax.axis_index("s") * NC + lax.axis_index("c")
        pads = (pad0, pad1)
        wsems = (wsem0, wsem1)

        zeros = jnp.zeros((16,), jnp.float32)
        for pv in pads:
            for c in range(C):
                for r in (0, L + 1):
                    for j in range(D // 16):
                        pv[c, r, pl.ds(j * 16, 16)] = zeros

        def step(g, b):
            pv = pads[b]
            seq0 = wid * SEQ_PER_W + g * C
            pltpu.sync_copy(idx_hbm.at[pl.ds(seq0, C), pl.ds(0, W0)],
                            idx_v.at[pl.ds(0, C)])
            pltpu.sync_copy(idx_hbm.at[pl.ds(seq0, C), pl.ds(W0, W1)],
                            idx_v.at[pl.ds(C, C), pl.ds(0, W1)])
            copies = []
            for c in range(C):
                copies.append(pltpu.async_copy(
                    table_hbm.at[idx_v.at[c]],
                    pv.at[c, pl.ds(1, W0)], gsem))
                copies.append(pltpu.async_copy(
                    table_hbm.at[idx_v.at[C + c, pl.ds(0, W1)]],
                    pv.at[c, pl.ds(1 + W0, W1)], gsem))
            for cp in copies:
                cp.wait()
            pltpu.async_copy(pv, out_hbm.at[pl.ds(seq0, C)], wsems[b])

        def drain(b):
            pltpu.make_async_copy(
                pads[b], out_hbm.at[pl.ds(0, C)], wsems[b]).wait()

        def body(h, carry):
            for b in range(2):
                @pl.when(h >= 1)
                def _():
                    drain(b)
                step(2 * h + b, b)
            return carry

        lax.fori_loop(0, G // 2, body, 0)
        drain(0)
        drain(1)

    return gather_kernel


_gather = _make_gather()


def kernel(indices, table):
    val_inp = _gather(indices, table)
    val_len = jnp.full((B,), LP, dtype=jnp.int32)
    return val_inp, val_len

# --- scband reference (transcript-rebuilt; emitter-appended) ---
"""Pipeline reference for scband-word-embedding-28432683500235 (READ-ONLY COPY).

The authoritative reference and input builder live on the scoring server;
editing this copy changes nothing except your own understanding.
"""

import jax, jax.numpy as jnp
import numpy as np

B = 4096
L = 200
VOCAB = 1000000
N_WORD = 64


def setup_inputs(seed: int = 0) -> dict:
    key = jax.random.key(seed)
    k1, k2 = jax.random.split(key)
    indices = jax.random.randint(k1, (B, L), 0, VOCAB, dtype=jnp.int32)
    table = jax.random.normal(k2, (VOCAB, N_WORD), dtype=jnp.float32) * 0.02
    return {"indices": indices, "table": table}


def reference(indices, table):
    # Faithful jax translation of WordEmbedding.gen_x_batch with our_model=True:
    # each token is looked up in the fixed embedding table (dict .get -> gather),
    # and a zero embedding vector is prepended (<BEG>) and appended (<END>) to
    # every sequence. All sequences share max_len here (dense batch), so
    # val_len == L + 2 for every example.
    emb = jnp.take(table, indices, axis=0)  # (B, L, N_word) gather
    pad = jnp.zeros((emb.shape[0], 1, emb.shape[2]), dtype=emb.dtype)
    val_inp = jnp.concatenate([pad, emb, pad], axis=1)  # (B, L+2, N_word)
    val_len = jnp.full((emb.shape[0],), emb.shape[1] + 2, dtype=jnp.int32)
    return val_inp, val_len

if __name__ == "__main__":
    import jax
    _d = setup_inputs()
    print(jax.jit(kernel)(*tuple(_d.values())))

</pallas_src>

<mosaic_0001>
#map = affine_map<(d0, d1) -> (0, 0)>
#map1 = affine_map<(d0, d1) -> (0, 0, 0)>
module attributes {stable_mosaic.version = 14 : i64} {
  func.func @gather_kernel(%arg0: i32, %arg1: i32, %arg2: memref<4096x200xi32, #tpu.memory_space<hbm>>, %arg3: memref<1000000x64xf32, #tpu.memory_space<hbm>>, %arg4: memref<4096x202x64xf32, #tpu.memory_space<hbm>>, %arg5: memref<8x104xi32, #tpu.memory_space<vmem>>, %arg6: memref<4x202x64xf32, #tpu.memory_space<vmem>>, %arg7: memref<4x202x64xf32, #tpu.memory_space<vmem>>, %arg8: memref<!tpu.dma_semaphore, #tpu.memory_space<semaphore_mem>>, %arg9: memref<!tpu.dma_semaphore, #tpu.memory_space<semaphore_mem>>, %arg10: memref<!tpu.dma_semaphore, #tpu.memory_space<semaphore_mem>>) attributes {dimension_semantics = [#tpu.dimension_semantics<core_parallel>, #tpu.dimension_semantics<subcore_parallel>], iteration_bounds = array<i64: 2, 16>, scalar_prefetch = 0 : i64, scratch_operands = 6 : i64, tpu.core_type = #tpu.core_type<sc_vector_subcore>, window_params = [{transform_indices = #map}, {transform_indices = #map}, {transform_indices = #map1}]} {
    %mul3A = arith.constant 2 : i32
    %mul3A_0 = arith.muli %arg1, %mul3A : i32
    %add3A = arith.addi %mul3A_0, %arg0 : i32
    %broadcast_in_dim3A = arith.constant 0.000000e+00 : f32
    %broadcast_in_dim3A_1 = vector.broadcast %broadcast_in_dim3A : f32 to vector<16xf32>
    %swap3A = arith.constant 0 : i32
    %swap3A_2 = arith.constant 0 : i32
    %swap3A_3 = arith.index_cast %swap3A : i32 to index
    %swap3A_4 = arith.index_cast %swap3A_2 : i32 to index
    %swap3A_5 = arith.constant 0 : index
    %swap3A_6 = tpu.vector_load %arg6[%swap3A_3, %swap3A_4, %swap3A_5] {strides = array<i32>} : memref<4x202x64xf32, #tpu.memory_space<vmem>>, vector<1x1x16xf32>,
    %swap3A_7 = vector.shape_cast %swap3A_6 : vector<1x1x16xf32> to vector<16xf32>
    %swap3A_8 = vector.shape_cast %broadcast_in_dim3A_1 : vector<16xf32> to vector<1x1x16xf32>
    tpu.vector_store %arg6[%swap3A_3, %swap3A_4, %swap3A_5], %swap3A_8 {strides = array<i32>} : memref<4x202x64xf32, #tpu.memory_space<vmem>>, vector<1x1x16xf32>,
    %swap3A_9 = arith.constant 0 : i32
    %swap3A_10 = arith.constant 0 : i32
    %swap3A_11 = arith.index_cast %swap3A_9 : i32 to index
    %swap3A_12 = arith.index_cast %swap3A_10 : i32 to index
    %swap3A_13 = arith.constant 16 : index
    %swap3A_14 = tpu.vector_load %arg6[%swap3A_11, %swap3A_12, %swap3A_13] {strides = array<i32>} : memref<4x202x64xf32, #tpu.memory_space<vmem>>, vector<1x1x16xf32>,
    %swap3A_15 = vector.shape_cast %swap3A_14 : vector<1x1x16xf32> to vector<16xf32>
    %swap3A_16 = vector.shape_cast %broadcast_in_dim3A_1 : vector<16xf32> to vector<1x1x16xf32>
    tpu.vector_store %arg6[%swap3A_11, %swap3A_12, %swap3A_13], %swap3A_16 {strides = array<i32>} : memref<4x202x64xf32, #tpu.memory_space<vmem>>, vector<1x1x16xf32>,
    %swap3A_17 = arith.constant 0 : i32
    %swap3A_18 = arith.constant 0 : i32
    %swap3A_19 = arith.index_cast %swap3A_17 : i32 to index
    %swap3A_20 = arith.index_cast %swap3A_18 : i32 to index
    %swap3A_21 = arith.constant 32 : index
    %swap3A_22 = tpu.vector_load %arg6[%swap3A_19, %swap3A_20, %swap3A_21] {strides = array<i32>} : memref<4x202x64xf32, #tpu.memory_space<vmem>>, vector<1x1x16xf32>,
    %swap3A_23 = vector.shape_cast %swap3A_22 : vector<1x1x16xf32> to vector<16xf32>
    %swap3A_24 = vector.shape_cast %broadcast_in_dim3A_1 : vector<16xf32> to vector<1x1x16xf32>
    tpu.vector_store %arg6[%swap3A_19, %swap3A_20, %swap3A_21], %swap3A_24 {strides = array<i32>} : memref<4x202x64xf32, #tpu.memory_space<vmem>>, vector<1x1x16xf32>,
    %swap3A_25 = arith.constant 0 : i32
    %swap3A_26 = arith.constant 0 : i32
    %swap3A_27 = arith.index_cast %swap3A_25 : i32 to index
    %swap3A_28 = arith.index_cast %swap3A_26 : i32 to index
    %swap3A_29 = arith.constant 48 : index
    %swap3A_30 = tpu.vector_load %arg6[%swap3A_27, %swap3A_28, %swap3A_29] {strides = array<i32>} : memref<4x202x64xf32, #tpu.memory_space<vmem>>, vector<1x1x16xf32>,
    %swap3A_31 = vector.shape_cast %swap3A_30 : vector<1x1x16xf32> to vector<16xf32>
    %swap3A_32 = vector.shape_cast %broadcast_in_dim3A_1 : vector<16xf32> to vector<1x1x16xf32>
    tpu.vector_store %arg6[%swap3A_27, %swap3A_28, %swap3A_29], %swap3A_32 {strides = array<i32>} : memref<4x202x64xf32, #tpu.memory_space<vmem>>, vector<1x1x16xf32>,
    %swap3A_33 = arith.constant 0 : i32
    %swap3A_34 = arith.constant 201 : i32
    %swap3A_35 = arith.index_cast %swap3A_33 : i32 to index
    %swap3A_36 = arith.index_cast %swap3A_34 : i32 to index
    %swap3A_37 = arith.constant 0 : index
    %swap3A_38 = tpu.vector_load %arg6[%swap3A_35, %swap3A_36, %swap3A_37] {strides = array<i32>} : memref<4x202x64xf32, #tpu.memory_space<vmem>>, vector<1x1x16xf32>,
    %swap3A_39 = vector.shape_cast %swap3A_38 : vector<1x1x16xf32> to vector<16xf32>
    %swap3A_40 = vector.shape_cast %broadcast_in_dim3A_1 : vector<16xf32> to vector<1x1x16xf32>
    tpu.vector_store %arg6[%swap3A_35, %swap3A_36, %swap3A_37], %swap3A_40 {strides = array<i32>} : memref<4x202x64xf32, #tpu.memory_space<vmem>>, vector<1x1x16xf32>,
    %swap3A_41 = arith.constant 0 : i32
    %swap3A_42 = arith.constant 201 : i32
    %swap3A_43 = arith.index_cast %swap3A_41 : i32 to index
    %swap3A_44 = arith.index_cast %swap3A_42 : i32 to index
    %swap3A_45 = arith.constant 16 : index
    %swap3A_46 = tpu.vector_load %arg6[%swap3A_43, %swap3A_44, %swap3A_45] {strides = array<i32>} : memref<4x202x64xf32, #tpu.memory_space<vmem>>, vector<1x1x16xf32>,
    %swap3A_47 = vector.shape_cast %swap3A_46 : vector<1x1x16xf32> to vector<16xf32>
    %swap3A_48 = vector.shape_cast %broadcast_in_dim3A_1 : vector<16xf32> to vector<1x1x16xf32>
    tpu.vector_store %arg6[%swap3A_43, %swap3A_44, %swap3A_45], %swap3A_48 {strides = array<i32>} : memref<4x202x64xf32, #tpu.memory_space<vmem>>, vector<1x1x16xf32>,
    %swap3A_49 = arith.constant 0 : i32
    %swap3A_50 = arith.constant 201 : i32
    %swap3A_51 = arith.index_cast %swap3A_49 : i32 to index
    %swap3A_52 = arith.index_cast %swap3A_50 : i32 to index
    %swap3A_53 = arith.constant 32 : index
    %swap3A_54 = tpu.vector_load %arg6[%swap3A_51, %swap3A_52, %swap3A_53] {strides = array<i32>} : memref<4x202x64xf32, #tpu.memory_space<vmem>>, vector<1x1x16xf32>,
    %swap3A_55 = vector.shape_cast %swap3A_54 : vector<1x1x16xf32> to vector<16xf32>
    %swap3A_56 = vector.shape_cast %broadcast_in_dim3A_1 : vector<16xf32> to vector<1x1x16xf32>
    tpu.vector_store %arg6[%swap3A_51, %swap3A_52, %swap3A_53], %swap3A_56 {strides = array<i32>} : memref<4x202x64xf32, #tpu.memory_space<vmem>>, vector<1x1x16xf32>,
    %swap3A_57 = arith.constant 0 : i32
    %swap3A_58 = arith.constant 201 : i32
    %swap3A_59 = arith.index_cast %swap3A_57 : i32 to index
    %swap3A_60 = arith.index_cast %swap3A_58 : i32 to index
    %swap3A_61 = arith.constant 48 : index
    %swap3A_62 = tpu.vector_load %arg6[%swap3A_59, %swap3A_60, %swap3A_61] {strides = array<i32>} : memref<4x202x64xf32, #tpu.memory_space<vmem>>, vector<1x1x16xf32>,
    %swap3A_63 = vector.shape_cast %swap3A_62 : vector<1x1x16xf32> to vector<16xf32>
    %swap3A_64 = vector.shape_cast %broadcast_in_dim3A_1 : vector<16xf32> to vector<1x1x16xf32>
    tpu.vector_store %arg6[%swap3A_59, %swap3A_60, %swap3A_61], %swap3A_64 {strides = array<i32>} : memref<4x202x64xf32, #tpu.memory_space<vmem>>, vector<1x1x16xf32>,
    %swap3A_65 = arith.constant 1 : i32
    %swap3A_66 = arith.constant 0 : i32
    %swap3A_67 = arith.index_cast %swap3A_65 : i32 to index
    %swap3A_68 = arith.index_cast %swap3A_66 : i32 to index
    %swap3A_69 = arith.constant 0 : index
    %swap3A_70 = tpu.vector_load %arg6[%swap3A_67, %swap3A_68, %swap3A_69] {strides = array<i32>} : memref<4x202x64xf32, #tpu.memory_space<vmem>>, vector<1x1x16xf32>,
    %swap3A_71 = vector.shape_cast %swap3A_70 : vector<1x1x16xf32> to vector<16xf32>
    %swap3A_72 = vector.shape_cast %broadcast_in_dim3A_1 : vector<16xf32> to vector<1x1x16xf32>
    tpu.vector_store %arg6[%swap3A_67, %swap3A_68, %swap3A_69], %swap3A_72 {strides = array<i32>} : memref<4x202x64xf32, #tpu.memory_space<vmem>>, vector<1x1x16xf32>,
    %swap3A_73 = arith.constant 1 : i32
    %swap3A_74 = arith.constant 0 : i32
    %swap3A_75 = arith.index_cast %swap3A_73 : i32 to index
    %swap3A_76 = arith.index_cast %swap3A_74 : i32 to index
    %swap3A_77 = arith.constant 16 : index
    %swap3A_78 = tpu.vector_load %arg6[%swap3A_75, %swap3A_76, %swap3A_77] {strides = array<i32>} : memref<4x202x64xf32, #tpu.memory_space<vmem>>, vector<1x1x16xf32>,
    %swap3A_79 = vector.shape_cast %swap3A_78 : vector<1x1x16xf32> to vector<16xf32>
    %swap3A_80 = vector.shape_cast %broadcast_in_dim3A_1 : vector<16xf32> to vector<1x1x16xf32>
    tpu.vector_store %arg6[%swap3A_75, %swap3A_76, %swap3A_77], %swap3A_80 {strides = array<i32>} : memref<4x202x64xf32, #tpu.memory_space<vmem>>, vector<1x1x16xf32>,
    %swap3A_81 = arith.constant 1 : i32
    %swap3A_82 = arith.constant 0 : i32
    %swap3A_83 = arith.index_cast %swap3A_81 : i32 to index
    %swap3A_84 = arith.index_cast %swap3A_82 : i32 to index
    %swap3A_85 = arith.constant 32 : index
    %swap3A_86 = tpu.vector_load %arg6[%swap3A_83, %swap3A_84, %swap3A_85] {strides = array<i32>} : memref<4x202x64xf32, #tpu.memory_space<vmem>>, vector<1x1x16xf32>,
    %swap3A_87 = vector.shape_cast %swap3A_86 : vector<1x1x16xf32> to vector<16xf32>
    %swap3A_88 = vector.shape_cast %broadcast_in_dim3A_1 : vector<16xf32> to vector<1x1x16xf32>
    tpu.vector_store %arg6[%swap3A_83, %swap3A_84, %swap3A_85], %swap3A_88 {strides = array<i32>} : memref<4x202x64xf32, #tpu.memory_space<vmem>>, vector<1x1x16xf32>,
    %swap3A_89 = arith.constant 1 : i32
    %swap3A_90 = arith.constant 0 : i32
    %swap3A_91 = arith.index_cast %swap3A_89 : i32 to index
    %swap3A_92 = arith.index_cast %swap3A_90 : i32 to index
    %swap3A_93 = arith.constant 48 : index
    %swap3A_94 = tpu.vector_load %arg6[%swap3A_91, %swap3A_92, %swap3A_93] {strides = array<i32>} : memref<4x202x64xf32, #tpu.memory_space<vmem>>, vector<1x1x16xf32>,
    %swap3A_95 = vector.shape_cast %swap3A_94 : vector<1x1x16xf32> to vector<16xf32>
    %swap3A_96 = vector.shape_cast %broadcast_in_dim3A_1 : vector<16xf32> to vector<1x1x16xf32>
    tpu.vector_store %arg6[%swap3A_91, %swap3A_92, %swap3A_93], %swap3A_96 {strides = array<i32>} : memref<4x202x64xf32, #tpu.memory_space<vmem>>, vector<1x1x16xf32>,
    %swap3A_97 = arith.constant 1 : i32
    %swap3A_98 = arith.constant 201 : i32
    %swap3A_99 = arith.index_cast %swap3A_97 : i32 to index
    %swap3A_100 = arith.index_cast %swap3A_98 : i32 to index
    %swap3A_101 = arith.constant 0 : index
    %swap3A_102 = tpu.vector_load %arg6[%swap3A_99, %swap3A_100, %swap3A_101] {strides = array<i32>} : memref<4x202x64xf32, #tpu.memory_space<vmem>>, vector<1x1x16xf32>,
    %swap3A_103 = vector.shape_cast %swap3A_102 : vector<1x1x16xf32> to vector<16xf32>
    %swap3A_104 = vector.shape_cast %broadcast_in_dim3A_1 : vector<16xf32> to vector<1x1x16xf32>
    tpu.vector_store %arg6[%swap3A_99, %swap3A_100, %swap3A_101], %swap3A_104 {strides = array<i32>} : memref<4x202x64xf32, #tpu.memory_space<vmem>>, vector<1x1x16xf32>,
    %swap3A_105 = arith.constant 1 : i32
    %swap3A_106 = arith.constant 201 : i32
    %swap3A_107 = arith.index_cast %swap3A_105 : i32 to index
    %swap3A_108 = arith.index_cast %swap3A_106 : i32 to index
    %swap3A_109 = arith.constant 16 : index
    %swap3A_110 = tpu.vector_load %arg6[%swap3A_107, %swap3A_108, %swap3A_109] {strides = array<i32>} : memref<4x202x64xf32, #tpu.memory_space<vmem>>, vector<1x1x16xf32>,
    %swap3A_111 = vector.shape_cast %swap3A_110 : vector<1x1x16xf32> to vector<16xf32>
    %swap3A_112 = vector.shape_cast %broadcast_in_dim3A_1 : vector<16xf32> to vector<1x1x16xf32>
    tpu.vector_store %arg6[%swap3A_107, %swap3A_108, %swap3A_109], %swap3A_112 {strides = array<i32>} : memref<4x202x64xf32, #tpu.memory_space<vmem>>, vector<1x1x16xf32>,
    %swap3A_113 = arith.constant 1 : i32
    %swap3A_114 = arith.constant 201 : i32
    %swap3A_115 = arith.index_cast %swap3A_113 : i32 to index
    %swap3A_116 = arith.index_cast %swap3A_114 : i32 to index
    %swap3A_117 = arith.constant 32 : index
    %swap3A_118 = tpu.vector_load %arg6[%swap3A_115, %swap3A_116, %swap3A_117] {strides = array<i32>} : memref<4x202x64xf32, #tpu.memory_space<vmem>>, vector<1x1x16xf32>,
    %swap3A_119 = vector.shape_cast %swap3A_118 : vector<1x1x16xf32> to vector<16xf32>
    %swap3A_120 = vector.shape_cast %broadcast_in_dim3A_1 : vector<16xf32> to vector<1x1x16xf32>
    tpu.vector_store %arg6[%swap3A_115, %swap3A_116, %swap3A_117], %swap3A_120 {strides = array<i32>} : memref<4x202x64xf32, #tpu.memory_space<vmem>>, vector<1x1x16xf32>,
    %swap3A_121 = arith.constant 1 : i32
    %swap3A_122 = arith.constant 201 : i32
    %swap3A_123 = arith.index_cast %swap3A_121 : i32 to index
    %swap3A_124 = arith.index_cast %swap3A_122 : i32 to index
    %swap3A_125 = arith.constant 48 : index
    %swap3A_126 = tpu.vector_load %arg6[%swap3A_123, %swap3A_124, %swap3A_125] {strides = array<i32>} : memref<4x202x64xf32, #tpu.memory_space<vmem>>, vector<1x1x16xf32>,
    %swap3A_127 = vector.shape_cast %swap3A_126 : vector<1x1x16xf32> to vector<16xf32>
    %swap3A_128 = vector.shape_cast %broadcast_in_dim3A_1 : vector<16xf32> to vector<1x1x16xf32>
    tpu.vector_store %arg6[%swap3A_123, %swap3A_124, %swap3A_125], %swap3A_128 {strides = array<i32>} : memref<4x202x64xf32, #tpu.memory_space<vmem>>, vector<1x1x16xf32>,
    %swap3A_129 = arith.constant 2 : i32
    %swap3A_130 = arith.constant 0 : i32
    %swap3A_131 = arith.index_cast %swap3A_129 : i32 to index
    %swap3A_132 = arith.index_cast %swap3A_130 : i32 to index
    %swap3A_133 = arith.constant 0 : index
    %swap3A_134 = tpu.vector_load %arg6[%swap3A_131, %swap3A_132, %swap3A_133] {strides = array<i32>} : memref<4x202x64xf32, #tpu.memory_space<vmem>>, vector<1x1x16xf32>,
    %swap3A_135 = vector.shape_cast %swap3A_134 : vector<1x1x16xf32> to vector<16xf32>
    %swap3A_136 = vector.shape_cast %broadcast_in_dim3A_1 : vector<16xf32> to vector<1x1x16xf32>
    tpu.vector_store %arg6[%swap3A_131, %swap3A_132, %swap3A_133], %swap3A_136 {strides = array<i32>} : memref<4x202x64xf32, #tpu.memory_space<vmem>>, vector<1x1x16xf32>,
    %swap3A_137 = arith.constant 2 : i32
    %swap3A_138 = arith.constant 0 : i32
    %swap3A_139 = arith.index_cast %swap3A_137 : i32 to index
    %swap3A_140 = arith.index_cast %swap3A_138 : i32 to index
    %swap3A_141 = arith.constant 16 : index
    %swap3A_142 = tpu.vector_load %arg6[%swap3A_139, %swap3A_140, %swap3A_141] {strides = array<i32>} : memref<4x202x64xf32, #tpu.memory_space<vmem>>, vector<1x1x16xf32>,
    %swap3A_143 = vector.shape_cast %swap3A_142 : vector<1x1x16xf32> to vector<16xf32>
    %swap3A_144 = vector.shape_cast %broadcast_in_dim3A_1 : vector<16xf32> to vector<1x1x16xf32>
    tpu.vector_store %arg6[%swap3A_139, %swap3A_140, %swap3A_141], %swap3A_144 {strides = array<i32>} : memref<4x202x64xf32, #tpu.memory_space<vmem>>, vector<1x1x16xf32>,
    %swap3A_145 = arith.constant 2 : i32
    %swap3A_146 = arith.constant 0 : i32
    %swap3A_147 = arith.index_cast %swap3A_145 : i32 to index
    %swap3A_148 = arith.index_cast %swap3A_146 : i32 to index
    %swap3A_149 = arith.constant 32 : index
    %swap3A_150 = tpu.vector_load %arg6[%swap3A_147, %swap3A_148, %swap3A_149] {strides = array<i32>} : memref<4x202x64xf32, #tpu.memory_space<vmem>>, vector<1x1x16xf32>,
    %swap3A_151 = vector.shape_cast %swap3A_150 : vector<1x1x16xf32> to vector<16xf32>
    %swap3A_152 = vector.shape_cast %broadcast_in_dim3A_1 : vector<16xf32> to vector<1x1x16xf32>
    tpu.vector_store %arg6[%swap3A_147, %swap3A_148, %swap3A_149], %swap3A_152 {strides = array<i32>} : memref<4x202x64xf32, #tpu.memory_space<vmem>>, vector<1x1x16xf32>,
    %swap3A_153 = arith.constant 2 : i32
    %swap3A_154 = arith.constant 0 : i32
    %swap3A_155 = arith.index_cast %swap3A_153 : i32 to index
    %swap3A_156 = arith.index_cast %swap3A_154 : i32 to index
    %swap3A_157 = arith.constant 48 : index
    %swap3A_158 = tpu.vector_load %arg6[%swap3A_155, %swap3A_156, %swap3A_157] {strides = array<i32>} : memref<4x202x64xf32, #tpu.memory_space<vmem>>, vector<1x1x16xf32>,
    %swap3A_159 = vector.shape_cast %swap3A_158 : vector<1x1x16xf32> to vector<16xf32>
    %swap3A_160 = vector.shape_cast %broadcast_in_dim3A_1 : vector<16xf32> to vector<1x1x16xf32>
    tpu.vector_store %arg6[%swap3A_155, %swap3A_156, %swap3A_157], %swap3A_160 {strides = array<i32>} : memref<4x202x64xf32, #tpu.memory_space<vmem>>, vector<1x1x16xf32>,
    %swap3A_161 = arith.constant 2 : i32
    %swap3A_162 = arith.constant 201 : i32
    %swap3A_163 = arith.index_cast %swap3A_161 : i32 to index
    %swap3A_164 = arith.index_cast %swap3A_162 : i32 to index
    %swap3A_165 = arith.constant 0 : index
    %swap3A_166 = tpu.vector_load %arg6[%swap3A_163, %swap3A_164, %swap3A_165] {strides = array<i32>} : memref<4x202x64xf32, #tpu.memory_space<vmem>>, vector<1x1x16xf32>,
    %swap3A_167 = vector.shape_cast %swap3A_166 : vector<1x1x16xf32> to vector<16xf32>
    %swap3A_168 = vector.shape_cast %broadcast_in_dim3A_1 : vector<16xf32> to vector<1x1x16xf32>
    tpu.vector_store %arg6[%swap3A_163, %swap3A_164, %swap3A_165], %swap3A_168 {strides = array<i32>} : memref<4x202x64xf32, #tpu.memory_space<vmem>>, vector<1x1x16xf32>,
    %swap3A_169 = arith.constant 2 : i32
    %swap3A_170 = arith.constant 201 : i32
    %swap3A_171 = arith.index_cast %swap3A_169 : i32 to index
    %swap3A_172 = arith.index_cast %swap3A_170 : i32 to index
    %swap3A_173 = arith.constant 16 : index
    %swap3A_174 = tpu.vector_load %arg6[%swap3A_171, %swap3A_172, %swap3A_173] {strides = array<i32>} : memref<4x202x64xf32, #tpu.memory_space<vmem>>, vector<1x1x16xf32>,
    %swap3A_175 = vector.shape_cast %swap3A_174 : vector<1x1x16xf32> to vector<16xf32>
    %swap3A_176 = vector.shape_cast %broadcast_in_dim3A_1 : vector<16xf32> to vector<1x1x16xf32>
    tpu.vector_store %arg6[%swap3A_171, %swap3A_172, %swap3A_173], %swap3A_176 {strides = array<i32>} : memref<4x202x64xf32, #tpu.memory_space<vmem>>, vector<1x1x16xf32>,
    %swap3A_177 = arith.constant 2 : i32
    %swap3A_178 = arith.constant 201 : i32
    %swap3A_179 = arith.index_cast %swap3A_177 : i32 to index
    %swap3A_180 = arith.index_cast %swap3A_178 : i32 to index
    %swap3A_181 = arith.constant 32 : index
    %swap3A_182 = tpu.vector_load %arg6[%swap3A_179, %swap3A_180, %swap3A_181] {strides = array<i32>} : memref<4x202x64xf32, #tpu.memory_space<vmem>>, vector<1x1x16xf32>,
    %swap3A_183 = vector.shape_cast %swap3A_182 : vector<1x1x16xf32> to vector<16xf32>
    %swap3A_184 = vector.shape_cast %broadcast_in_dim3A_1 : vector<16xf32> to vector<1x1x16xf32>
    tpu.vector_store %arg6[%swap3A_179, %swap3A_180, %swap3A_181], %swap3A_184 {strides = array<i32>} : memref<4x202x64xf32, #tpu.memory_space<vmem>>, vector<1x1x16xf32>,
    %swap3A_185 = arith.constant 2 : i32
    %swap3A_186 = arith.constant 201 : i32
    %swap3A_187 = arith.index_cast %swap3A_185 : i32 to index
    %swap3A_188 = arith.index_cast %swap3A_186 : i32 to index
    %swap3A_189 = arith.constant 48 : index
    %swap3A_190 = tpu.vector_load %arg6[%swap3A_187, %swap3A_188, %swap3A_189] {strides = array<i32>} : memref<4x202x64xf32, #tpu.memory_space<vmem>>, vector<1x1x16xf32>,
    %swap3A_191 = vector.shape_cast %swap3A_190 : vector<1x1x16xf32> to vector<16xf32>
    %swap3A_192 = vector.shape_cast %broadcast_in_dim3A_1 : vector<16xf32> to vector<1x1x16xf32>
    tpu.vector_store %arg6[%swap3A_187, %swap3A_188, %swap3A_189], %swap3A_192 {strides = array<i32>} : memref<4x202x64xf32, #tpu.memory_space<vmem>>, vector<1x1x16xf32>,
    %swap3A_193 = arith.constant 3 : i32
    %swap3A_194 = arith.constant 0 : i32
    %swap3A_195 = arith.index_cast %swap3A_193 : i32 to index
    %swap3A_196 = arith.index_cast %swap3A_194 : i32 to index
    %swap3A_197 = arith.constant 0 : index
    %swap3A_198 = tpu.vector_load %arg6[%swap3A_195, %swap3A_196, %swap3A_197] {strides = array<i32>} : memref<4x202x64xf32, #tpu.memory_space<vmem>>, vector<1x1x16xf32>,
    %swap3A_199 = vector.shape_cast %swap3A_198 : vector<1x1x16xf32> to vector<16xf32>
    %swap3A_200 = vector.shape_cast %broadcast_in_dim3A_1 : vector<16xf32> to vector<1x1x16xf32>
    tpu.vector_store %arg6[%swap3A_195, %swap3A_196, %swap3A_197], %swap3A_200 {strides = array<i32>} : memref<4x202x64xf32, #tpu.memory_space<vmem>>, vector<1x1x16xf32>,
    %swap3A_201 = arith.constant 3 : i32
    %swap3A_202 = arith.constant 0 : i32
    %swap3A_203 = arith.index_cast %swap3A_201 : i32 to index
    %swap3A_204 = arith.index_cast %swap3A_202 : i32 to index
    %swap3A_205 = arith.constant 16 : index
    %swap3A_206 = tpu.vector_load %arg6[%swap3A_203, %swap3A_204, %swap3A_205] {strides = array<i32>} : memref<4x202x64xf32, #tpu.memory_space<vmem>>, vector<1x1x16xf32>,
    %swap3A_207 = vector.shape_cast %swap3A_206 : vector<1x1x16xf32> to vector<16xf32>
    %swap3A_208 = vector.shape_cast %broadcast_in_dim3A_1 : vector<16xf32> to vector<1x1x16xf32>
    tpu.vector_store %arg6[%swap3A_203, %swap3A_204, %swap3A_205], %swap3A_208 {strides = array<i32>} : memref<4x202x64xf32, #tpu.memory_space<vmem>>, vector<1x1x16xf32>,
    %swap3A_209 = arith.constant 3 : i32
    %swap3A_210 = arith.constant 0 : i32
    %swap3A_211 = arith.index_cast %swap3A_209 : i32 to index
    %swap3A_212 = arith.index_cast %swap3A_210 : i32 to index
    %swap3A_213 = arith.constant 32 : index
    %swap3A_214 = tpu.vector_load %arg6[%swap3A_211, %swap3A_212, %swap3A_213] {strides = array<i32>} : memref<4x202x64xf32, #tpu.memory_space<vmem>>, vector<1x1x16xf32>,
    %swap3A_215 = vector.shape_cast %swap3A_214 : vector<1x1x16xf32> to vector<16xf32>
    %swap3A_216 = vector.shape_cast %broadcast_in_dim3A_1 : vector<16xf32> to vector<1x1x16xf32>
    tpu.vector_store %arg6[%swap3A_211, %swap3A_212, %swap3A_213], %swap3A_216 {strides = array<i32>} : memref<4x202x64xf32, #tpu.memory_space<vmem>>, vector<1x1x16xf32>,
    %swap3A_217 = arith.constant 3 : i32
    %swap3A_218 = arith.constant 0 : i32
    %swap3A_219 = arith.index_cast %swap3A_217 : i32 to index
    %swap3A_220 = arith.index_cast %swap3A_218 : i32 to index
    %swap3A_221 = arith.constant 48 : index
    %swap3A_222 = tpu.vector_load %arg6[%swap3A_219, %swap3A_220, %swap3A_221] {strides = array<i32>} : memref<4x202x64xf32, #tpu.memory_space<vmem>>, vector<1x1x16xf32>,
    %swap3A_223 = vector.shape_cast %swap3A_222 : vector<1x1x16xf32> to vector<16xf32>
    %swap3A_224 = vector.shape_cast %broadcast_in_dim3A_1 : vector<16xf32> to vector<1x1x16xf32>
    tpu.vector_store %arg6[%swap3A_219, %swap3A_220, %swap3A_221], %swap3A_224 {strides = array<i32>} : memref<4x202x64xf32, #tpu.memory_space<vmem>>, vector<1x1x16xf32>,
    %swap3A_225 = arith.constant 3 : i32
    %swap3A_226 = arith.constant 201 : i32
    %swap3A_227 = arith.index_cast %swap3A_225 : i32 to index
    %swap3A_228 = arith.index_cast %swap3A_226 : i32 to index
    %swap3A_229 = arith.constant 0 : index
    %swap3A_230 = tpu.vector_load %arg6[%swap3A_227, %swap3A_228, %swap3A_229] {strides = array<i32>} : memref<4x202x64xf32, #tpu.memory_space<vmem>>, vector<1x1x16xf32>,
    %swap3A_231 = vector.shape_cast %swap3A_230 : vector<1x1x16xf32> to vector<16xf32>
    %swap3A_232 = vector.shape_cast %broadcast_in_dim3A_1 : vector<16xf32> to vector<1x1x16xf32>
    tpu.vector_store %arg6[%swap3A_227, %swap3A_228, %swap3A_229], %swap3A_232 {strides = array<i32>} : memref<4x202x64xf32, #tpu.memory_space<vmem>>, vector<1x1x16xf32>,
    %swap3A_233 = arith.constant 3 : i32
    %swap3A_234 = arith.constant 201 : i32
    %swap3A_235 = arith.index_cast %swap3A_233 : i32 to index
    %swap3A_236 = arith.index_cast %swap3A_234 : i32 to index
    %swap3A_237 = arith.constant 16 : index
    %swap3A_238 = tpu.vector_load %arg6[%swap3A_235, %swap3A_236, %swap3A_237] {strides = array<i32>} : memref<4x202x64xf32, #tpu.memory_space<vmem>>, vector<1x1x16xf32>,
    %swap3A_239 = vector.shape_cast %swap3A_238 : vector<1x1x16xf32> to vector<16xf32>
    %swap3A_240 = vector.shape_cast %broadcast_in_dim3A_1 : vector<16xf32> to vector<1x1x16xf32>
    tpu.vector_store %arg6[%swap3A_235, %swap3A_236, %swap3A_237], %swap3A_240 {strides = array<i32>} : memref<4x202x64xf32, #tpu.memory_space<vmem>>, vector<1x1x16xf32>,
    %swap3A_241 = arith.constant 3 : i32
    %swap3A_242 = arith.constant 201 : i32
    %swap3A_243 = arith.index_cast %swap3A_241 : i32 to index
    %swap3A_244 = arith.index_cast %swap3A_242 : i32 to index
    %swap3A_245 = arith.constant 32 : index
    %swap3A_246 = tpu.vector_load %arg6[%swap3A_243, %swap3A_244, %swap3A_245] {strides = array<i32>} : memref<4x202x64xf32, #tpu.memory_space<vmem>>, vector<1x1x16xf32>,
    %swap3A_247 = vector.shape_cast %swap3A_246 : vector<1x1x16xf32> to vector<16xf32>
    %swap3A_248 = vector.shape_cast %broadcast_in_dim3A_1 : vector<16xf32> to vector<1x1x16xf32>
    tpu.vector_store %arg6[%swap3A_243, %swap3A_244, %swap3A_245], %swap3A_248 {strides = array<i32>} : memref<4x202x64xf32, #tpu.memory_space<vmem>>, vector<1x1x16xf32>,
    %swap3A_249 = arith.constant 3 : i32
    %swap3A_250 = arith.constant 201 : i32
    %swap3A_251 = arith.index_cast %swap3A_249 : i32 to index
    %swap3A_252 = arith.index_cast %swap3A_250 : i32 to index
    %swap3A_253 = arith.constant 48 : index
    %swap3A_254 = tpu.vector_load %arg6[%swap3A_251, %swap3A_252, %swap3A_253] {strides = array<i32>} : memref<4x202x64xf32, #tpu.memory_space<vmem>>, vector<1x1x16xf32>,
    %swap3A_255 = vector.shape_cast %swap3A_254 : vector<1x1x16xf32> to vector<16xf32>
    %swap3A_256 = vector.shape_cast %broadcast_in_dim3A_1 : vector<16xf32> to vector<1x1x16xf32>
    tpu.vector_store %arg6[%swap3A_251, %swap3A_252, %swap3A_253], %swap3A_256 {strides = array<i32>} : memref<4x202x64xf32, #tpu.memory_space<vmem>>, vector<1x1x16xf32>,
    %swap3A_257 = arith.constant 0 : i32
    %swap3A_258 = arith.constant 0 : i32
    %swap3A_259 = arith.index_cast %swap3A_257 : i32 to index
    %swap3A_260 = arith.index_cast %swap3A_258 : i32 to index
    %swap3A_261 = arith.constant 0 : index
    %swap3A_262 = tpu.vector_load %arg7[%swap3A_259, %swap3A_260, %swap3A_261] {strides = array<i32>} : memref<4x202x64xf32, #tpu.memory_space<vmem>>, vector<1x1x16xf32>,
    %swap3A_263 = vector.shape_cast %swap3A_262 : vector<1x1x16xf32> to vector<16xf32>
    %swap3A_264 = vector.shape_cast %broadcast_in_dim3A_1 : vector<16xf32> to vector<1x1x16xf32>
    tpu.vector_store %arg7[%swap3A_259, %swap3A_260, %swap3A_261], %swap3A_264 {strides = array<i32>} : memref<4x202x64xf32, #tpu.memory_space<vmem>>, vector<1x1x16xf32>,
    %swap3A_265 = arith.constant 0 : i32
    %swap3A_266 = arith.constant 0 : i32
    %swap3A_267 = arith.index_cast %swap3A_265 : i32 to index
    %swap3A_268 = arith.index_cast %swap3A_266 : i32 to index
    %swap3A_269 = arith.constant 16 : index
    %swap3A_270 = tpu.vector_load %arg7[%swap3A_267, %swap3A_268, %swap3A_269] {strides = array<i32>} : memref<4x202x64xf32, #tpu.memory_space<vmem>>, vector<1x1x16xf32>,
    %swap3A_271 = vector.shape_cast %swap3A_270 : vector<1x1x16xf32> to vector<16xf32>
    %swap3A_272 = vector.shape_cast %broadcast_in_dim3A_1 : vector<16xf32> to vector<1x1x16xf32>
    tpu.vector_store %arg7[%swap3A_267, %swap3A_268, %swap3A_269], %swap3A_272 {strides = array<i32>} : memref<4x202x64xf32, #tpu.memory_space<vmem>>, vector<1x1x16xf32>,
    %swap3A_273 = arith.constant 0 : i32
    %swap3A_274 = arith.constant 0 : i32
    %swap3A_275 = arith.index_cast %swap3A_273 : i32 to index
    %swap3A_276 = arith.index_cast %swap3A_274 : i32 to index
    %swap3A_277 = arith.constant 32 : index
    %swap3A_278 = tpu.vector_load %arg7[%swap3A_275, %swap3A_276, %swap3A_277] {strides = array<i32>} : memref<4x202x64xf32, #tpu.memory_space<vmem>>, vector<1x1x16xf32>,
    %swap3A_279 = vector.shape_cast %swap3A_278 : vector<1x1x16xf32> to vector<16xf32>
    %swap3A_280 = vector.shape_cast %broadcast_in_dim3A_1 : vector<16xf32> to vector<1x1x16xf32>
    tpu.vector_store %arg7[%swap3A_275, %swap3A_276, %swap3A_277], %swap3A_280 {strides = array<i32>} : memref<4x202x64xf32, #tpu.memory_space<vmem>>, vector<1x1x16xf32>,
    %swap3A_281 = arith.constant 0 : i32
    %swap3A_282 = arith.constant 0 : i32
    %swap3A_283 = arith.index_cast %swap3A_281 : i32 to index
    %swap3A_284 = arith.index_cast %swap3A_282 : i32 to index
    %swap3A_285 = arith.constant 48 : index
    %swap3A_286 = tpu.vector_load %arg7[%swap3A_283, %swap3A_284, %swap3A_285] {strides = array<i32>} : memref<4x202x64xf32, #tpu.memory_space<vmem>>, vector<1x1x16xf32>,
    %swap3A_287 = vector.shape_cast %swap3A_286 : vector<1x1x16xf32> to vector<16xf32>
    %swap3A_288 = vector.shape_cast %broadcast_in_dim3A_1 : vector<16xf32> to vector<1x1x16xf32>
    tpu.vector_store %arg7[%swap3A_283, %swap3A_284, %swap3A_285], %swap3A_288 {strides = array<i32>} : memref<4x202x64xf32, #tpu.memory_space<vmem>>, vector<1x1x16xf32>,
    %swap3A_289 = arith.constant 0 : i32
    %swap3A_290 = arith.constant 201 : i32
    %swap3A_291 = arith.index_cast %swap3A_289 : i32 to index
    %swap3A_292 = arith.index_cast %swap3A_290 : i32 to index
    %swap3A_293 = arith.constant 0 : index
    %swap3A_294 = tpu.vector_load %arg7[%swap3A_291, %swap3A_292, %swap3A_293] {strides = array<i32>} : memref<4x202x64xf32, #tpu.memory_space<vmem>>, vector<1x1x16xf32>,
    %swap3A_295 = vector.shape_cast %swap3A_294 : vector<1x1x16xf32> to vector<16xf32>
    %swap3A_296 = vector.shape_cast %broadcast_in_dim3A_1 : vector<16xf32> to vector<1x1x16xf32>
    tpu.vector_store %arg7[%swap3A_291, %swap3A_292, %swap3A_293], %swap3A_296 {strides = array<i32>} : memref<4x202x64xf32, #tpu.memory_space<vmem>>, vector<1x1x16xf32>,
    %swap3A_297 = arith.constant 0 : i32
    %swap3A_298 = arith.constant 201 : i32
    %swap3A_299 = arith.index_cast %swap3A_297 : i32 to index
    %swap3A_300 = arith.index_cast %swap3A_298 : i32 to index
    %swap3A_301 = arith.constant 16 : index
    %swap3A_302 = tpu.vector_load %arg7[%swap3A_299, %swap3A_300, %swap3A_301] {strides = array<i32>} : memref<4x202x64xf32, #tpu.memory_space<vmem>>, vector<1x1x16xf32>,
    %swap3A_303 = vector.shape_cast %swap3A_302 : vector<1x1x16xf32> to vector<16xf32>
    %swap3A_304 = vector.shape_cast %broadcast_in_dim3A_1 : vector<16xf32> to vector<1x1x16xf32>
    tpu.vector_store %arg7[%swap3A_299, %swap3A_300, %swap3A_301], %swap3A_304 {strides = array<i32>} : memref<4x202x64xf32, #tpu.memory_space<vmem>>, vector<1x1x16xf32>,
    %swap3A_305 = arith.constant 0 : i32
    %swap3A_306 = arith.constant 201 : i32
    %swap3A_307 = arith.index_cast %swap3A_305 : i32 to index
    %swap3A_308 = arith.index_cast %swap3A_306 : i32 to index
    %swap3A_309 = arith.constant 32 : index
    %swap3A_310 = tpu.vector_load %arg7[%swap3A_307, %swap3A_308, %swap3A_309] {strides = array<i32>} : memref<4x202x64xf32, #tpu.memory_space<vmem>>, vector<1x1x16xf32>,
    %swap3A_311 = vector.shape_cast %swap3A_310 : vector<1x1x16xf32> to vector<16xf32>
    %swap3A_312 = vector.shape_cast %broadcast_in_dim3A_1 : vector<16xf32> to vector<1x1x16xf32>
    tpu.vector_store %arg7[%swap3A_307, %swap3A_308, %swap3A_309], %swap3A_312 {strides = array<i32>} : memref<4x202x64xf32, #tpu.memory_space<vmem>>, vector<1x1x16xf32>,
    %swap3A_313 = arith.constant 0 : i32
    %swap3A_314 = arith.constant 201 : i32
    %swap3A_315 = arith.index_cast %swap3A_313 : i32 to index
    %swap3A_316 = arith.index_cast %swap3A_314 : i32 to index
    %swap3A_317 = arith.constant 48 : index
    %swap3A_318 = tpu.vector_load %arg7[%swap3A_315, %swap3A_316, %swap3A_317] {strides = array<i32>} : memref<4x202x64xf32, #tpu.memory_space<vmem>>, vector<1x1x16xf32>,
    %swap3A_319 = vector.shape_cast %swap3A_318 : vector<1x1x16xf32> to vector<16xf32>
    %swap3A_320 = vector.shape_cast %broadcast_in_dim3A_1 : vector<16xf32> to vector<1x1x16xf32>
    tpu.vector_store %arg7[%swap3A_315, %swap3A_316, %swap3A_317], %swap3A_320 {strides = array<i32>} : memref<4x202x64xf32, #tpu.memory_space<vmem>>, vector<1x1x16xf32>,
    %swap3A_321 = arith.constant 1 : i32
    %swap3A_322 = arith.constant 0 : i32
    %swap3A_323 = arith.index_cast %swap3A_321 : i32 to index
    %swap3A_324 = arith.index_cast %swap3A_322 : i32 to index
    %swap3A_325 = arith.constant 0 : index
    %swap3A_326 = tpu.vector_load %arg7[%swap3A_323, %swap3A_324, %swap3A_325] {strides = array<i32>} : memref<4x202x64xf32, #tpu.memory_space<vmem>>, vector<1x1x16xf32>,
    %swap3A_327 = vector.shape_cast %swap3A_326 : vector<1x1x16xf32> to vector<16xf32>
    %swap3A_328 = vector.shape_cast %broadcast_in_dim3A_1 : vector<16xf32> to vector<1x1x16xf32>
    tpu.vector_store %arg7[%swap3A_323, %swap3A_324, %swap3A_325], %swap3A_328 {strides = array<i32>} : memref<4x202x64xf32, #tpu.memory_space<vmem>>, vector<1x1x16xf32>,
    %swap3A_329 = arith.constant 1 : i32
    %swap3A_330 = arith.constant 0 : i32
    %swap3A_331 = arith.index_cast %swap3A_329 : i32 to index
    %swap3A_332 = arith.index_cast %swap3A_330 : i32 to index
    %swap3A_333 = arith.constant 16 : index
    %swap3A_334 = tpu.vector_load %arg7[%swap3A_331, %swap3A_332, %swap3A_333] {strides = array<i32>} : memref<4x202x64xf32, #tpu.memory_space<vmem>>, vector<1x1x16xf32>,
    %swap3A_335 = vector.shape_cast %swap3A_334 : vector<1x1x16xf32> to vector<16xf32>
    %swap3A_336 = vector.shape_cast %broadcast_in_dim3A_1 : vector<16xf32> to vector<1x1x16xf32>
    tpu.vector_store %arg7[%swap3A_331, %swap3A_332, %swap3A_333], %swap3A_336 {strides = array<i32>} : memref<4x202x64xf32, #tpu.memory_space<vmem>>, vector<1x1x16xf32>,
    %swap3A_337 = arith.constant 1 : i32
    %swap3A_338 = arith.constant 0 : i32
    %swap3A_339 = arith.index_cast %swap3A_337 : i32 to index
    %swap3A_340 = arith.index_cast %swap3A_338 : i32 to index
    %swap3A_341 = arith.constant 32 : index
    %swap3A_342 = tpu.vector_load %arg7[%swap3A_339, %swap3A_340, %swap3A_341] {strides = array<i32>} : memref<4x202x64xf32, #tpu.memory_space<vmem>>, vector<1x1x16xf32>,
    %swap3A_343 = vector.shape_cast %swap3A_342 : vector<1x1x16xf32> to vector<16xf32>
    %swap3A_344 = vector.shape_cast %broadcast_in_dim3A_1 : vector<16xf32> to vector<1x1x16xf32>
    tpu.vector_store %arg7[%swap3A_339, %swap3A_340, %swap3A_341], %swap3A_344 {strides = array<i32>} : memref<4x202x64xf32, #tpu.memory_space<vmem>>, vector<1x1x16xf32>,
    %swap3A_345 = arith.constant 1 : i32
    %swap3A_346 = arith.constant 0 : i32
    %swap3A_347 = arith.index_cast %swap3A_345 : i32 to index
    %swap3A_348 = arith.index_cast %swap3A_346 : i32 to index
    %swap3A_349 = arith.constant 48 : index
    %swap3A_350 = tpu.vector_load %arg7[%swap3A_347, %swap3A_348, %swap3A_349] {strides = array<i32>} : memref<4x202x64xf32, #tpu.memory_space<vmem>>, vector<1x1x16xf32>,
    %swap3A_351 = vector.shape_cast %swap3A_350 : vector<1x1x16xf32> to vector<16xf32>
    %swap3A_352 = vector.shape_cast %broadcast_in_dim3A_1 : vector<16xf32> to vector<1x1x16xf32>
    tpu.vector_store %arg7[%swap3A_347, %swap3A_348, %swap3A_349], %swap3A_352 {strides = array<i32>} : memref<4x202x64xf32, #tpu.memory_space<vmem>>, vector<1x1x16xf32>,
    %swap3A_353 = arith.constant 1 : i32
    %swap3A_354 = arith.constant 201 : i32
    %swap3A_355 = arith.index_cast %swap3A_353 : i32 to index
    %swap3A_356 = arith.index_cast %swap3A_354 : i32 to index
    %swap3A_357 = arith.constant 0 : index
    %swap3A_358 = tpu.vector_load %arg7[%swap3A_355, %swap3A_356, %swap3A_357] {strides = array<i32>} : memref<4x202x64xf32, #tpu.memory_space<vmem>>, vector<1x1x16xf32>,
    %swap3A_359 = vector.shape_cast %swap3A_358 : vector<1x1x16xf32> to vector<16xf32>
    %swap3A_360 = vector.shape_cast %broadcast_in_dim3A_1 : vector<16xf32> to vector<1x1x16xf32>
    tpu.vector_store %arg7[%swap3A_355, %swap3A_356, %swap3A_357], %swap3A_360 {strides = array<i32>} : memref<4x202x64xf32, #tpu.memory_space<vmem>>, vector<1x1x16xf32>,
    %swap3A_361 = arith.constant 1 : i32
    %swap3A_362 = arith.constant 201 : i32
    %swap3A_363 = arith.index_cast %swap3A_361 : i32 to index
    %swap3A_364 = arith.index_cast %swap3A_362 : i32 to index
    %swap3A_365 = arith.constant 16 : index
    %swap3A_366 = tpu.vector_load %arg7[%swap3A_363, %swap3A_364, %swap3A_365] {strides = array<i32>} : memref<4x202x64xf32, #tpu.memory_space<vmem>>, vector<1x1x16xf32>,
    %swap3A_367 = vector.shape_cast %swap3A_366 : vector<1x1x16xf32> to vector<16xf32>
    %swap3A_368 = vector.shape_cast %broadcast_in_dim3A_1 : vector<16xf32> to vector<1x1x16xf32>
    tpu.vector_store %arg7[%swap3A_363, %swap3A_364, %swap3A_365], %swap3A_368 {strides = array<i32>} : memref<4x202x64xf32, #tpu.memory_space<vmem>>, vector<1x1x16xf32>,
    %swap3A_369 = arith.constant 1 : i32
    %swap3A_370 = arith.constant 201 : i32
    %swap3A_371 = arith.index_cast %swap3A_369 : i32 to index
    %swap3A_372 = arith.index_cast %swap3A_370 : i32 to index
    %swap3A_373 = arith.constant 32 : index
    %swap3A_374 = tpu.vector_load %arg7[%swap3A_371, %swap3A_372, %swap3A_373] {strides = array<i32>} : memref<4x202x64xf32, #tpu.memory_space<vmem>>, vector<1x1x16xf32>,
    %swap3A_375 = vector.shape_cast %swap3A_374 : vector<1x1x16xf32> to vector<16xf32>
    %swap3A_376 = vector.shape_cast %broadcast_in_dim3A_1 : vector<16xf32> to vector<1x1x16xf32>
    tpu.vector_store %arg7[%swap3A_371, %swap3A_372, %swap3A_373], %swap3A_376 {strides = array<i32>} : memref<4x202x64xf32, #tpu.memory_space<vmem>>, vector<1x1x16xf32>,
    %swap3A_377 = arith.constant 1 : i32
    %swap3A_378 = arith.constant 201 : i32
    %swap3A_379 = arith.index_cast %swap3A_377 : i32 to index
    %swap3A_380 = arith.index_cast %swap3A_378 : i32 to index
    %swap3A_381 = arith.constant 48 : index
    %swap3A_382 = tpu.vector_load %arg7[%swap3A_379, %swap3A_380, %swap3A_381] {strides = array<i32>} : memref<4x202x64xf32, #tpu.memory_space<vmem>>, vector<1x1x16xf32>,
    %swap3A_383 = vector.shape_cast %swap3A_382 : vector<1x1x16xf32> to vector<16xf32>
    %swap3A_384 = vector.shape_cast %broadcast_in_dim3A_1 : vector<16xf32> to vector<1x1x16xf32>
    tpu.vector_store %arg7[%swap3A_379, %swap3A_380, %swap3A_381], %swap3A_384 {strides = array<i32>} : memref<4x202x64xf32, #tpu.memory_space<vmem>>, vector<1x1x16xf32>,
    %swap3A_385 = arith.constant 2 : i32
    %swap3A_386 = arith.constant 0 : i32
    %swap3A_387 = arith.index_cast %swap3A_385 : i32 to index
    %swap3A_388 = arith.index_cast %swap3A_386 : i32 to index
    %swap3A_389 = arith.constant 0 : index
    %swap3A_390 = tpu.vector_load %arg7[%swap3A_387, %swap3A_388, %swap3A_389] {strides = array<i32>} : memref<4x202x64xf32, #tpu.memory_space<vmem>>, vector<1x1x16xf32>,
    %swap3A_391 = vector.shape_cast %swap3A_390 : vector<1x1x16xf32> to vector<16xf32>
    %swap3A_392 = vector.shape_cast %broadcast_in_dim3A_1 : vector<16xf32> to vector<1x1x16xf32>
    tpu.vector_store %arg7[%swap3A_387, %swap3A_388, %swap3A_389], %swap3A_392 {strides = array<i32>} : memref<4x202x64xf32, #tpu.memory_space<vmem>>, vector<1x1x16xf32>,
    %swap3A_393 = arith.constant 2 : i32
    %swap3A_394 = arith.constant 0 : i32
    %swap3A_395 = arith.index_cast %swap3A_393 : i32 to index
    %swap3A_396 = arith.index_cast %swap3A_394 : i32 to index
    %swap3A_397 = arith.constant 16 : index
    %swap3A_398 = tpu.vector_load %arg7[%swap3A_395, %swap3A_396, %swap3A_397] {strides = array<i32>} : memref<4x202x64xf32, #tpu.memory_space<vmem>>, vector<1x1x16xf32>,
    %swap3A_399 = vector.shape_cast %swap3A_398 : vector<1x1x16xf32> to vector<16xf32>
    %swap3A_400 = vector.shape_cast %broadcast_in_dim3A_1 : vector<16xf32> to vector<1x1x16xf32>
    tpu.vector_store %arg7[%swap3A_395, %swap3A_396, %swap3A_397], %swap3A_400 {strides = array<i32>} : memref<4x202x64xf32, #tpu.memory_space<vmem>>, vector<1x1x16xf32>,
    %swap3A_401 = arith.constant 2 : i32
    %swap3A_402 = arith.constant 0 : i32
    %swap3A_403 = arith.index_cast %swap3A_401 : i32 to index
    %swap3A_404 = arith.index_cast %swap3A_402 : i32 to index
    %swap3A_405 = arith.constant 32 : index
    %swap3A_406 = tpu.vector_load %arg7[%swap3A_403, %swap3A_404, %swap3A_405] {strides = array<i32>} : memref<4x202x64xf32, #tpu.memory_space<vmem>>, vector<1x1x16xf32>,
    %swap3A_407 = vector.shape_cast %swap3A_406 : vector<1x1x16xf32> to vector<16xf32>
    %swap3A_408 = vector.shape_cast %broadcast_in_dim3A_1 : vector<16xf32> to vector<1x1x16xf32>
    tpu.vector_store %arg7[%swap3A_403, %swap3A_404, %swap3A_405], %swap3A_408 {strides = array<i32>} : memref<4x202x64xf32, #tpu.memory_space<vmem>>, vector<1x1x16xf32>,
    %swap3A_409 = arith.constant 2 : i32
    %swap3A_410 = arith.constant 0 : i32
    %swap3A_411 = arith.index_cast %swap3A_409 : i32 to index
    %swap3A_412 = arith.index_cast %swap3A_410 : i32 to index
    %swap3A_413 = arith.constant 48 : index
    %swap3A_414 = tpu.vector_load %arg7[%swap3A_411, %swap3A_412, %swap3A_413] {strides = array<i32>} : memref<4x202x64xf32, #tpu.memory_space<vmem>>, vector<1x1x16xf32>,
    %swap3A_415 = vector.shape_cast %swap3A_414 : vector<1x1x16xf32> to vector<16xf32>
    %swap3A_416 = vector.shape_cast %broadcast_in_dim3A_1 : vector<16xf32> to vector<1x1x16xf32>
    tpu.vector_store %arg7[%swap3A_411, %swap3A_412, %swap3A_413], %swap3A_416 {strides = array<i32>} : memref<4x202x64xf32, #tpu.memory_space<vmem>>, vector<1x1x16xf32>,
    %swap3A_417 = arith.constant 2 : i32
    %swap3A_418 = arith.constant 201 : i32
    %swap3A_419 = arith.index_cast %swap3A_417 : i32 to index
    %swap3A_420 = arith.index_cast %swap3A_418 : i32 to index
    %swap3A_421 = arith.constant 0 : index
    %swap3A_422 = tpu.vector_load %arg7[%swap3A_419, %swap3A_420, %swap3A_421] {strides = array<i32>} : memref<4x202x64xf32, #tpu.memory_space<vmem>>, vector<1x1x16xf32>,
    %swap3A_423 = vector.shape_cast %swap3A_422 : vector<1x1x16xf32> to vector<16xf32>
    %swap3A_424 = vector.shape_cast %broadcast_in_dim3A_1 : vector<16xf32> to vector<1x1x16xf32>
    tpu.vector_store %arg7[%swap3A_419, %swap3A_420, %swap3A_421], %swap3A_424 {strides = array<i32>} : memref<4x202x64xf32, #tpu.memory_space<vmem>>, vector<1x1x16xf32>,
    %swap3A_425 = arith.constant 2 : i32
    %swap3A_426 = arith.constant 201 : i32
    %swap3A_427 = arith.index_cast %swap3A_425 : i32 to index
    %swap3A_428 = arith.index_cast %swap3A_426 : i32 to index
    %swap3A_429 = arith.constant 16 : index
    %swap3A_430 = tpu.vector_load %arg7[%swap3A_427, %swap3A_428, %swap3A_429] {strides = array<i32>} : memref<4x202x64xf32, #tpu.memory_space<vmem>>, vector<1x1x16xf32>,
    %swap3A_431 = vector.shape_cast %swap3A_430 : vector<1x1x16xf32> to vector<16xf32>
    %swap3A_432 = vector.shape_cast %broadcast_in_dim3A_1 : vector<16xf32> to vector<1x1x16xf32>
    tpu.vector_store %arg7[%swap3A_427, %swap3A_428, %swap3A_429], %swap3A_432 {strides = array<i32>} : memref<4x202x64xf32, #tpu.memory_space<vmem>>, vector<1x1x16xf32>,
    %swap3A_433 = arith.constant 2 : i32
    %swap3A_434 = arith.constant 201 : i32
    %swap3A_435 = arith.index_cast %swap3A_433 : i32 to index
    %swap3A_436 = arith.index_cast %swap3A_434 : i32 to index
    %swap3A_437 = arith.constant 32 : index
    %swap3A_438 = tpu.vector_load %arg7[%swap3A_435, %swap3A_436, %swap3A_437] {strides = array<i32>} : memref<4x202x64xf32, #tpu.memory_space<vmem>>, vector<1x1x16xf32>,
    %swap3A_439 = vector.shape_cast %swap3A_438 : vector<1x1x16xf32> to vector<16xf32>
    %swap3A_440 = vector.shape_cast %broadcast_in_dim3A_1 : vector<16xf32> to vector<1x1x16xf32>
    tpu.vector_store %arg7[%swap3A_435, %swap3A_436, %swap3A_437], %swap3A_440 {strides = array<i32>} : memref<4x202x64xf32, #tpu.memory_space<vmem>>, vector<1x1x16xf32>,
    %swap3A_441 = arith.constant 2 : i32
    %swap3A_442 = arith.constant 201 : i32
    %swap3A_443 = arith.index_cast %swap3A_441 : i32 to index
    %swap3A_444 = arith.index_cast %swap3A_442 : i32 to index
    %swap3A_445 = arith.constant 48 : index
    %swap3A_446 = tpu.vector_load %arg7[%swap3A_443, %swap3A_444, %swap3A_445] {strides = array<i32>} : memref<4x202x64xf32, #tpu.memory_space<vmem>>, vector<1x1x16xf32>,
    %swap3A_447 = vector.shape_cast %swap3A_446 : vector<1x1x16xf32> to vector<16xf32>
    %swap3A_448 = vector.shape_cast %broadcast_in_dim3A_1 : vector<16xf32> to vector<1x1x16xf32>
    tpu.vector_store %arg7[%swap3A_443, %swap3A_444, %swap3A_445], %swap3A_448 {strides = array<i32>} : memref<4x202x64xf32, #tpu.memory_space<vmem>>, vector<1x1x16xf32>,
    %swap3A_449 = arith.constant 3 : i32
    %swap3A_450 = arith.constant 0 : i32
    %swap3A_451 = arith.index_cast %swap3A_449 : i32 to index
    %swap3A_452 = arith.index_cast %swap3A_450 : i32 to index
    %swap3A_453 = arith.constant 0 : index
    %swap3A_454 = tpu.vector_load %arg7[%swap3A_451, %swap3A_452, %swap3A_453] {strides = array<i32>} : memref<4x202x64xf32, #tpu.memory_space<vmem>>, vector<1x1x16xf32>,
    %swap3A_455 = vector.shape_cast %swap3A_454 : vector<1x1x16xf32> to vector<16xf32>
    %swap3A_456 = vector.shape_cast %broadcast_in_dim3A_1 : vector<16xf32> to vector<1x1x16xf32>
    tpu.vector_store %arg7[%swap3A_451, %swap3A_452, %swap3A_453], %swap3A_456 {strides = array<i32>} : memref<4x202x64xf32, #tpu.memory_space<vmem>>, vector<1x1x16xf32>,
    %swap3A_457 = arith.constant 3 : i32
    %swap3A_458 = arith.constant 0 : i32
    %swap3A_459 = arith.index_cast %swap3A_457 : i32 to index
    %swap3A_460 = arith.index_cast %swap3A_458 : i32 to index
    %swap3A_461 = arith.constant 16 : index
    %swap3A_462 = tpu.vector_load %arg7[%swap3A_459, %swap3A_460, %swap3A_461] {strides = array<i32>} : memref<4x202x64xf32, #tpu.memory_space<vmem>>, vector<1x1x16xf32>,
    %swap3A_463 = vector.shape_cast %swap3A_462 : vector<1x1x16xf32> to vector<16xf32>
    %swap3A_464 = vector.shape_cast %broadcast_in_dim3A_1 : vector<16xf32> to vector<1x1x16xf32>
    tpu.vector_store %arg7[%swap3A_459, %swap3A_460, %swap3A_461], %swap3A_464 {strides = array<i32>} : memref<4x202x64xf32, #tpu.memory_space<vmem>>, vector<1x1x16xf32>,
    %swap3A_465 = arith.constant 3 : i32
    %swap3A_466 = arith.constant 0 : i32
    %swap3A_467 = arith.index_cast %swap3A_465 : i32 to index
    %swap3A_468 = arith.index_cast %swap3A_466 : i32 to index
    %swap3A_469 = arith.constant 32 : index
    %swap3A_470 = tpu.vector_load %arg7[%swap3A_467, %swap3A_468, %swap3A_469] {strides = array<i32>} : memref<4x202x64xf32, #tpu.memory_space<vmem>>, vector<1x1x16xf32>,
    %swap3A_471 = vector.shape_cast %swap3A_470 : vector<1x1x16xf32> to vector<16xf32>
    %swap3A_472 = vector.shape_cast %broadcast_in_dim3A_1 : vector<16xf32> to vector<1x1x16xf32>
    tpu.vector_store %arg7[%swap3A_467, %swap3A_468, %swap3A_469], %swap3A_472 {strides = array<i32>} : memref<4x202x64xf32, #tpu.memory_space<vmem>>, vector<1x1x16xf32>,
    %swap3A_473 = arith.constant 3 : i32
    %swap3A_474 = arith.constant 0 : i32
    %swap3A_475 = arith.index_cast %swap3A_473 : i32 to index
    %swap3A_476 = arith.index_cast %swap3A_474 : i32 to index
    %swap3A_477 = arith.constant 48 : index
    %swap3A_478 = tpu.vector_load %arg7[%swap3A_475, %swap3A_476, %swap3A_477] {strides = array<i32>} : memref<4x202x64xf32, #tpu.memory_space<vmem>>, vector<1x1x16xf32>,
    %swap3A_479 = vector.shape_cast %swap3A_478 : vector<1x1x16xf32> to vector<16xf32>
    %swap3A_480 = vector.shape_cast %broadcast_in_dim3A_1 : vector<16xf32> to vector<1x1x16xf32>
    tpu.vector_store %arg7[%swap3A_475, %swap3A_476, %swap3A_477], %swap3A_480 {strides = array<i32>} : memref<4x202x64xf32, #tpu.memory_space<vmem>>, vector<1x1x16xf32>,
    %swap3A_481 = arith.constant 3 : i32
    %swap3A_482 = arith.constant 201 : i32
    %swap3A_483 = arith.index_cast %swap3A_481 : i32 to index
    %swap3A_484 = arith.index_cast %swap3A_482 : i32 to index
    %swap3A_485 = arith.constant 0 : index
    %swap3A_486 = tpu.vector_load %arg7[%swap3A_483, %swap3A_484, %swap3A_485] {strides = array<i32>} : memref<4x202x64xf32, #tpu.memory_space<vmem>>, vector<1x1x16xf32>,
    %swap3A_487 = vector.shape_cast %swap3A_486 : vector<1x1x16xf32> to vector<16xf32>
    %swap3A_488 = vector.shape_cast %broadcast_in_dim3A_1 : vector<16xf32> to vector<1x1x16xf32>
    tpu.vector_store %arg7[%swap3A_483, %swap3A_484, %swap3A_485], %swap3A_488 {strides = array<i32>} : memref<4x202x64xf32, #tpu.memory_space<vmem>>, vector<1x1x16xf32>,
    %swap3A_489 = arith.constant 3 : i32
    %swap3A_490 = arith.constant 201 : i32
    %swap3A_491 = arith.index_cast %swap3A_489 : i32 to index
    %swap3A_492 = arith.index_cast %swap3A_490 : i32 to index
    %swap3A_493 = arith.constant 16 : index
    %swap3A_494 = tpu.vector_load %arg7[%swap3A_491, %swap3A_492, %swap3A_493] {strides = array<i32>} : memref<4x202x64xf32, #tpu.memory_space<vmem>>, vector<1x1x16xf32>,
    %swap3A_495 = vector.shape_cast %swap3A_494 : vector<1x1x16xf32> to vector<16xf32>
    %swap3A_496 = vector.shape_cast %broadcast_in_dim3A_1 : vector<16xf32> to vector<1x1x16xf32>
    tpu.vector_store %arg7[%swap3A_491, %swap3A_492, %swap3A_493], %swap3A_496 {strides = array<i32>} : memref<4x202x64xf32, #tpu.memory_space<vmem>>, vector<1x1x16xf32>,
    %swap3A_497 = arith.constant 3 : i32
    %swap3A_498 = arith.constant 201 : i32
    %swap3A_499 = arith.index_cast %swap3A_497 : i32 to index
    %swap3A_500 = arith.index_cast %swap3A_498 : i32 to index
    %swap3A_501 = arith.constant 32 : index
    %swap3A_502 = tpu.vector_load %arg7[%swap3A_499, %swap3A_500, %swap3A_501] {strides = array<i32>} : memref<4x202x64xf32, #tpu.memory_space<vmem>>, vector<1x1x16xf32>,
    %swap3A_503 = vector.shape_cast %swap3A_502 : vector<1x1x16xf32> to vector<16xf32>
    %swap3A_504 = vector.shape_cast %broadcast_in_dim3A_1 : vector<16xf32> to vector<1x1x16xf32>
    tpu.vector_store %arg7[%swap3A_499, %swap3A_500, %swap3A_501], %swap3A_504 {strides = array<i32>} : memref<4x202x64xf32, #tpu.memory_space<vmem>>, vector<1x1x16xf32>,
    %swap3A_505 = arith.constant 3 : i32
    %swap3A_506 = arith.constant 201 : i32
    %swap3A_507 = arith.index_cast %swap3A_505 : i32 to index
    %swap3A_508 = arith.index_cast %swap3A_506 : i32 to index
    %swap3A_509 = arith.constant 48 : index
    %swap3A_510 = tpu.vector_load %arg7[%swap3A_507, %swap3A_508, %swap3A_509] {strides = array<i32>} : memref<4x202x64xf32, #tpu.memory_space<vmem>>, vector<1x1x16xf32>,
    %swap3A_511 = vector.shape_cast %swap3A_510 : vector<1x1x16xf32> to vector<16xf32>
    %swap3A_512 = vector.shape_cast %broadcast_in_dim3A_1 : vector<16xf32> to vector<1x1x16xf32>
    tpu.vector_store %arg7[%swap3A_507, %swap3A_508, %swap3A_509], %swap3A_512 {strides = array<i32>} : memref<4x202x64xf32, #tpu.memory_space<vmem>>, vector<1x1x16xf32>,
    %scan3A = arith.constant 0 : i32
    %scan3A_513 = arith.constant 0 : i32
    %scan3A_514 = arith.constant 16 : i32
    %scan3A_515 = arith.addi %scan3A_513, %scan3A_514 : i32
    %scan3A_516 = arith.constant 1 : i32
    scf.for %scan3A_533 = %scan3A_513 to %scan3A_515 step %scan3A_516  : i32 {
      %ge3A = arith.constant 1 : i32
      %ge3A_534 = arith.cmpi sge, %scan3A_533, %ge3A : i32
      %convert_element_type3A = arith.extui %ge3A_534 : i1 to i32
      %cond3A = arith.constant 0 : i32
      %cond3A_535 = arith.cmpi ne, %convert_element_type3A, %cond3A : i32
      scf.if %cond3A_535 {
        %dma_wait3A_954 = arith.constant 0 : i32
        %dma_wait3A_955 = arith.constant 0 : i32
        %dma_wait3A_956 = arith.constant 0 : i32
        %dma_wait3A_957 = tpu.memref_slice %arg4[%dma_wait3A_954, %dma_wait3A_955, %dma_wait3A_956] : memref<4096x202x64xf32, #tpu.memory_space<hbm>> -> memref<4x202x64xf32, #tpu.memory_space<hbm>>
        %dma_wait3A_958 = arith.constant 0 : i32
        %dma_wait3A_959 = arith.constant 0 : i32
        %dma_wait3A_960 = arith.constant 0 : i32
        %dma_wait3A_961 = tpu.memref_slice %arg4[%dma_wait3A_958, %dma_wait3A_959, %dma_wait3A_960] : memref<4096x202x64xf32, #tpu.memory_space<hbm>> -> memref<4x202x64xf32, #tpu.memory_space<hbm>>
        tpu.wait_dma2 semaphore(%arg9 : memref<!tpu.dma_semaphore, #tpu.memory_space<semaphore_mem>>) src(%arg6 : memref<4x202x64xf32, #tpu.memory_space<vmem>>) dst(%dma_wait3A_961 : memref<4x202x64xf32, #tpu.memory_space<hbm>>)
      } else {
      }
      %mul3A_536 = arith.constant 2 : i32
      %mul3A_537 = arith.muli %mul3A_536, %scan3A_533 : i32
      %add3A_538 = arith.constant 0 : i32
      %add3A_539 = arith.addi %mul3A_537, %add3A_538 : i32
      %mul3A_540 = arith.constant 128 : i32
      %mul3A_541 = arith.muli %add3A, %mul3A_540 : i32
      %mul3A_542 = arith.constant 4 : i32
      %mul3A_543 = arith.muli %add3A_539, %mul3A_542 : i32
      %add3A_544 = arith.addi %mul3A_541, %mul3A_543 : i32
      "tpu.region"() ({
        %run_scoped3A = tpu.sem_alloc : memref<!tpu.dma_semaphore, #tpu.memory_space<semaphore_mem>>
        %dma_start3A_954 = arith.constant 0 : i32
        %dma_start3A_955 = arith.constant 0 : i32
        %dma_start3A_956 = tpu.memref_slice %arg5[%dma_start3A_954, %dma_start3A_955] : memref<8x104xi32, #tpu.memory_space<vmem>> -> memref<4x104xi32, #tpu.memory_space<vmem>>
        %dma_start3A_957 = arith.constant 0 : i32
        %dma_start3A_958 = tpu.memref_slice %arg2[%add3A_544, %dma_start3A_957] : memref<4096x200xi32, #tpu.memory_space<hbm>> -> memref<4x104xi32, #tpu.memory_space<hbm>>
        %dma_start3A_959 = arith.constant 0 : i32
        %dma_start3A_960 = arith.constant 0 : i32
        %dma_start3A_961 = tpu.memref_slice %arg5[%dma_start3A_959, %dma_start3A_960] : memref<8x104xi32, #tpu.memory_space<vmem>> -> memref<4x104xi32, #tpu.memory_space<vmem>>
        %dma_start3A_962 = arith.constant 0 : i32
        %dma_start3A_963 = tpu.memref_slice %arg2[%add3A_544, %dma_start3A_962] : memref<4096x200xi32, #tpu.memory_space<hbm>> -> memref<4x104xi32, #tpu.memory_space<hbm>>
        tpu.enqueue_dma source(%dma_start3A_963 : memref<4x104xi32, #tpu.memory_space<hbm>>) target(%dma_start3A_961 : memref<4x104xi32, #tpu.memory_space<vmem>>) target_semaphore(%run_scoped3A : memref<!tpu.dma_semaphore, #tpu.memory_space<semaphore_mem>>)
        %dma_wait3A_964 = arith.constant 0 : i32
        %dma_wait3A_965 = arith.constant 0 : i32
        %dma_wait3A_966 = tpu.memref_slice %arg5[%dma_wait3A_964, %dma_wait3A_965] : memref<8x104xi32, #tpu.memory_space<vmem>> -> memref<4x104xi32, #tpu.memory_space<vmem>>
        %dma_wait3A_967 = arith.constant 0 : i32
        %dma_wait3A_968 = tpu.memref_slice %arg2[%add3A_544, %dma_wait3A_967] : memref<4096x200xi32, #tpu.memory_space<hbm>> -> memref<4x104xi32, #tpu.memory_space<hbm>>
        %dma_wait3A_969 = arith.constant 0 : i32
        %dma_wait3A_970 = arith.constant 0 : i32
        %dma_wait3A_971 = tpu.memref_slice %arg5[%dma_wait3A_969, %dma_wait3A_970] : memref<8x104xi32, #tpu.memory_space<vmem>> -> memref<4x104xi32, #tpu.memory_space<vmem>>
        %dma_wait3A_972 = arith.constant 0 : i32
        %dma_wait3A_973 = tpu.memref_slice %arg2[%add3A_544, %dma_wait3A_972] : memref<4096x200xi32, #tpu.memory_space<hbm>> -> memref<4x104xi32, #tpu.memory_space<hbm>>
        tpu.wait_dma2 semaphore(%run_scoped3A : memref<!tpu.dma_semaphore, #tpu.memory_space<semaphore_mem>>) src(%dma_wait3A_973 : memref<4x104xi32, #tpu.memory_space<hbm>>) dst(%dma_wait3A_971 : memref<4x104xi32, #tpu.memory_space<vmem>>)
        tpu.yield
      }) : () -> ()
      "tpu.region"() ({
        %run_scoped3A = tpu.sem_alloc : memref<!tpu.dma_semaphore, #tpu.memory_space<semaphore_mem>>
        %dma_start3A_954 = arith.constant 4 : i32
        %dma_start3A_955 = arith.constant 0 : i32
        %dma_start3A_956 = tpu.memref_slice %arg5[%dma_start3A_954, %dma_start3A_955] : memref<8x104xi32, #tpu.memory_space<vmem>> -> memref<4x96xi32, #tpu.memory_space<vmem>>
        %dma_start3A_957 = arith.constant 104 : i32
        %dma_start3A_958 = tpu.memref_slice %arg2[%add3A_544, %dma_start3A_957] : memref<4096x200xi32, #tpu.memory_space<hbm>> -> memref<4x96xi32, #tpu.memory_space<hbm>>
        %dma_start3A_959 = arith.constant 4 : i32
        %dma_start3A_960 = arith.constant 0 : i32
        %dma_start3A_961 = tpu.memref_slice %arg5[%dma_start3A_959, %dma_start3A_960] : memref<8x104xi32, #tpu.memory_space<vmem>> -> memref<4x96xi32, #tpu.memory_space<vmem>>
        %dma_start3A_962 = arith.constant 104 : i32
        %dma_start3A_963 = tpu.memref_slice %arg2[%add3A_544, %dma_start3A_962] : memref<4096x200xi32, #tpu.memory_space<hbm>> -> memref<4x96xi32, #tpu.memory_space<hbm>>
        tpu.enqueue_dma source(%dma_start3A_963 : memref<4x96xi32, #tpu.memory_space<hbm>>) target(%dma_start3A_961 : memref<4x96xi32, #tpu.memory_space<vmem>>) target_semaphore(%run_scoped3A : memref<!tpu.dma_semaphore, #tpu.memory_space<semaphore_mem>>)
        %dma_wait3A_964 = arith.constant 4 : i32
        %dma_wait3A_965 = arith.constant 0 : i32
        %dma_wait3A_966 = tpu.memref_slice %arg5[%dma_wait3A_964, %dma_wait3A_965] : memref<8x104xi32, #tpu.memory_space<vmem>> -> memref<4x96xi32, #tpu.memory_space<vmem>>
        %dma_wait3A_967 = arith.constant 104 : i32
        %dma_wait3A_968 = tpu.memref_slice %arg2[%add3A_544, %dma_wait3A_967] : memref<4096x200xi32, #tpu.memory_space<hbm>> -> memref<4x96xi32, #tpu.memory_space<hbm>>
        %dma_wait3A_969 = arith.constant 4 : i32
        %dma_wait3A_970 = arith.constant 0 : i32
        %dma_wait3A_971 = tpu.memref_slice %arg5[%dma_wait3A_969, %dma_wait3A_970] : memref<8x104xi32, #tpu.memory_space<vmem>> -> memref<4x96xi32, #tpu.memory_space<vmem>>
        %dma_wait3A_972 = arith.constant 104 : i32
        %dma_wait3A_973 = tpu.memref_slice %arg2[%add3A_544, %dma_wait3A_972] : memref<4096x200xi32, #tpu.memory_space<hbm>> -> memref<4x96xi32, #tpu.memory_space<hbm>>
        tpu.wait_dma2 semaphore(%run_scoped3A : memref<!tpu.dma_semaphore, #tpu.memory_space<semaphore_mem>>) src(%dma_wait3A_973 : memref<4x96xi32, #tpu.memory_space<hbm>>) dst(%dma_wait3A_971 : memref<4x96xi32, #tpu.memory_space<vmem>>)
        tpu.yield
      }) : () -> ()
      %dma_start3A = arith.constant 0 : i32
      %dma_start3A_545 = arith.constant 0 : i32
      %dma_start3A_546 = arith.constant 1 : i32
      %dma_start3A_547 = arith.constant 0 : i32
      %dma_start3A_548 = tpu.memref_slice %arg6[%dma_start3A_545, %dma_start3A_546, %dma_start3A_547] : memref<4x202x64xf32, #tpu.memory_space<vmem>> -> memref<1x104x64xf32, #tpu.memory_space<vmem>>
      %dma_start3A_549 = tpu.memref_squeeze %dma_start3A_548 : memref<1x104x64xf32, #tpu.memory_space<vmem>> -> memref<104x64xf32, #tpu.memory_space<vmem>>
      %dma_start3A_550 = arith.constant 0 : i32
      %dma_start3A_551 = tpu.memref_slice %arg5[%dma_start3A, %dma_start3A_550] : memref<8x104xi32, #tpu.memory_space<vmem>> -> memref<1x104xi32, #tpu.memory_space<vmem>>
      %dma_start3A_552 = tpu.memref_squeeze %dma_start3A_551 : memref<1x104xi32, #tpu.memory_space<vmem>> -> memref<104xi32, #tpu.memory_space<vmem>>
      %dma_start3A_553 = arith.constant 0 : i32
      %dma_start3A_554 = arith.constant 0 : i32
      %dma_start3A_555 = tpu.memref_slice %arg3[%dma_start3A_553, %dma_start3A_554] : memref<1000000x64xf32, #tpu.memory_space<hbm>> -> memref<1000000x64xf32, #tpu.memory_space<hbm>>
      tpu.enqueue_indirect_dma source(%dma_start3A_555 : memref<1000000x64xf32, #tpu.memory_space<hbm>>) target(%dma_start3A_549 : memref<104x64xf32, #tpu.memory_space<vmem>>) offsets(%dma_start3A_552 : memref<104xi32, #tpu.memory_space<vmem>>) semaphore(%arg8 : memref<!tpu.dma_semaphore, #tpu.memory_space<semaphore_mem>>)
      %dma_start3A_556 = arith.constant 4 : i32
      %dma_start3A_557 = arith.constant 0 : i32
      %dma_start3A_558 = arith.constant 105 : i32
      %dma_start3A_559 = arith.constant 0 : i32
      %dma_start3A_560 = tpu.memref_slice %arg6[%dma_start3A_557, %dma_start3A_558, %dma_start3A_559] : memref<4x202x64xf32, #tpu.memory_space<vmem>> -> memref<1x96x64xf32, #tpu.memory_space<vmem>>
      %dma_start3A_561 = tpu.memref_squeeze %dma_start3A_560 : memref<1x96x64xf32, #tpu.memory_space<vmem>> -> memref<96x64xf32, #tpu.memory_space<vmem>>
      %dma_start3A_562 = arith.constant 0 : i32
      %dma_start3A_563 = tpu.memref_slice %arg5[%dma_start3A_556, %dma_start3A_562] : memref<8x104xi32, #tpu.memory_space<vmem>> -> memref<1x96xi32, #tpu.memory_space<vmem>>
      %dma_start3A_564 = tpu.memref_squeeze %dma_start3A_563 : memref<1x96xi32, #tpu.memory_space<vmem>> -> memref<96xi32, #tpu.memory_space<vmem>>
      %dma_start3A_565 = arith.constant 0 : i32
      %dma_start3A_566 = arith.constant 0 : i32
      %dma_start3A_567 = tpu.memref_slice %arg3[%dma_start3A_565, %dma_start3A_566] : memref<1000000x64xf32, #tpu.memory_space<hbm>> -> memref<1000000x64xf32, #tpu.memory_space<hbm>>
      tpu.enqueue_indirect_dma source(%dma_start3A_567 : memref<1000000x64xf32, #tpu.memory_space<hbm>>) target(%dma_start3A_561 : memref<96x64xf32, #tpu.memory_space<vmem>>) offsets(%dma_start3A_564 : memref<96xi32, #tpu.memory_space<vmem>>) semaphore(%arg8 : memref<!tpu.dma_semaphore, #tpu.memory_space<semaphore_mem>>)
      %dma_start3A_568 = arith.constant 1 : i32
      %dma_start3A_569 = arith.constant 1 : i32
      %dma_start3A_570 = arith.constant 1 : i32
      %dma_start3A_571 = arith.constant 0 : i32
      %dma_start3A_572 = tpu.memref_slice %arg6[%dma_start3A_569, %dma_start3A_570, %dma_start3A_571] : memref<4x202x64xf32, #tpu.memory_space<vmem>> -> memref<1x104x64xf32, #tpu.memory_space<vmem>>
      %dma_start3A_573 = tpu.memref_squeeze %dma_start3A_572 : memref<1x104x64xf32, #tpu.memory_space<vmem>> -> memref<104x64xf32, #tpu.memory_space<vmem>>
      %dma_start3A_574 = arith.constant 0 : i32
      %dma_start3A_575 = tpu.memref_slice %arg5[%dma_start3A_568, %dma_start3A_574] : memref<8x104xi32, #tpu.memory_space<vmem>> -> memref<1x104xi32, #tpu.memory_space<vmem>>
      %dma_start3A_576 = tpu.memref_squeeze %dma_start3A_575 : memref<1x104xi32, #tpu.memory_space<vmem>> -> memref<104xi32, #tpu.memory_space<vmem>>
      %dma_start3A_577 = arith.constant 0 : i32
      %dma_start3A_578 = arith.constant 0 : i32
      %dma_start3A_579 = tpu.memref_slice %arg3[%dma_start3A_577, %dma_start3A_578] : memref<1000000x64xf32, #tpu.memory_space<hbm>> -> memref<1000000x64xf32, #tpu.memory_space<hbm>>
      tpu.enqueue_indirect_dma source(%dma_start3A_579 : memref<1000000x64xf32, #tpu.memory_space<hbm>>) target(%dma_start3A_573 : memref<104x64xf32, #tpu.memory_space<vmem>>) offsets(%dma_start3A_576 : memref<104xi32, #tpu.memory_space<vmem>>) semaphore(%arg8 : memref<!tpu.dma_semaphore, #tpu.memory_space<semaphore_mem>>)
      %dma_start3A_580 = arith.constant 5 : i32
      %dma_start3A_581 = arith.constant 1 : i32
      %dma_start3A_582 = arith.constant 105 : i32
      %dma_start3A_583 = arith.constant 0 : i32
      %dma_start3A_584 = tpu.memref_slice %arg6[%dma_start3A_581, %dma_start3A_582, %dma_start3A_583] : memref<4x202x64xf32, #tpu.memory_space<vmem>> -> memref<1x96x64xf32, #tpu.memory_space<vmem>>
      %dma_start3A_585 = tpu.memref_squeeze %dma_start3A_584 : memref<1x96x64xf32, #tpu.memory_space<vmem>> -> memref<96x64xf32, #tpu.memory_space<vmem>>
      %dma_start3A_586 = arith.constant 0 : i32
      %dma_start3A_587 = tpu.memref_slice %arg5[%dma_start3A_580, %dma_start3A_586] : memref<8x104xi32, #tpu.memory_space<vmem>> -> memref<1x96xi32, #tpu.memory_space<vmem>>
      %dma_start3A_588 = tpu.memref_squeeze %dma_start3A_587 : memref<1x96xi32, #tpu.memory_space<vmem>> -> memref<96xi32, #tpu.memory_space<vmem>>
      %dma_start3A_589 = arith.constant 0 : i32
      %dma_start3A_590 = arith.constant 0 : i32
      %dma_start3A_591 = tpu.memref_slice %arg3[%dma_start3A_589, %dma_start3A_590] : memref<1000000x64xf32, #tpu.memory_space<hbm>> -> memref<1000000x64xf32, #tpu.memory_space<hbm>>
      tpu.enqueue_indirect_dma source(%dma_start3A_591 : memref<1000000x64xf32, #tpu.memory_space<hbm>>) target(%dma_start3A_585 : memref<96x64xf32, #tpu.memory_space<vmem>>) offsets(%dma_start3A_588 : memref<96xi32, #tpu.memory_space<vmem>>) semaphore(%arg8 : memref<!tpu.dma_semaphore, #tpu.memory_space<semaphore_mem>>)
      %dma_start3A_592 = arith.constant 2 : i32
      %dma_start3A_593 = arith.constant 2 : i32
      %dma_start3A_594 = arith.constant 1 : i32
      %dma_start3A_595 = arith.constant 0 : i32
      %dma_start3A_596 = tpu.memref_slice %arg6[%dma_start3A_593, %dma_start3A_594, %dma_start3A_595] : memref<4x202x64xf32, #tpu.memory_space<vmem>> -> memref<1x104x64xf32, #tpu.memory_space<vmem>>
      %dma_start3A_597 = tpu.memref_squeeze %dma_start3A_596 : memref<1x104x64xf32, #tpu.memory_space<vmem>> -> memref<104x64xf32, #tpu.memory_space<vmem>>
      %dma_start3A_598 = arith.constant 0 : i32
      %dma_start3A_599 = tpu.memref_slice %arg5[%dma_start3A_592, %dma_start3A_598] : memref<8x104xi32, #tpu.memory_space<vmem>> -> memref<1x104xi32, #tpu.memory_space<vmem>>
      %dma_start3A_600 = tpu.memref_squeeze %dma_start3A_599 : memref<1x104xi32, #tpu.memory_space<vmem>> -> memref<104xi32, #tpu.memory_space<vmem>>
      %dma_start3A_601 = arith.constant 0 : i32
      %dma_start3A_602 = arith.constant 0 : i32
      %dma_start3A_603 = tpu.memref_slice %arg3[%dma_start3A_601, %dma_start3A_602] : memref<1000000x64xf32, #tpu.memory_space<hbm>> -> memref<1000000x64xf32, #tpu.memory_space<hbm>>
      tpu.enqueue_indirect_dma source(%dma_start3A_603 : memref<1000000x64xf32, #tpu.memory_space<hbm>>) target(%dma_start3A_597 : memref<104x64xf32, #tpu.memory_space<vmem>>) offsets(%dma_start3A_600 : memref<104xi32, #tpu.memory_space<vmem>>) semaphore(%arg8 : memref<!tpu.dma_semaphore, #tpu.memory_space<semaphore_mem>>)
      %dma_start3A_604 = arith.constant 6 : i32
      %dma_start3A_605 = arith.constant 2 : i32
      %dma_start3A_606 = arith.constant 105 : i32
      %dma_start3A_607 = arith.constant 0 : i32
      %dma_start3A_608 = tpu.memref_slice %arg6[%dma_start3A_605, %dma_start3A_606, %dma_start3A_607] : memref<4x202x64xf32, #tpu.memory_space<vmem>> -> memref<1x96x64xf32, #tpu.memory_space<vmem>>
      %dma_start3A_609 = tpu.memref_squeeze %dma_start3A_608 : memref<1x96x64xf32, #tpu.memory_space<vmem>> -> memref<96x64xf32, #tpu.memory_space<vmem>>
      %dma_start3A_610 = arith.constant 0 : i32
      %dma_start3A_611 = tpu.memref_slice %arg5[%dma_start3A_604, %dma_start3A_610] : memref<8x104xi32, #tpu.memory_space<vmem>> -> memref<1x96xi32, #tpu.memory_space<vmem>>
      %dma_start3A_612 = tpu.memref_squeeze %dma_start3A_611 : memref<1x96xi32, #tpu.memory_space<vmem>> -> memref<96xi32, #tpu.memory_space<vmem>>
      %dma_start3A_613 = arith.constant 0 : i32
      %dma_start3A_614 = arith.constant 0 : i32
      %dma_start3A_615 = tpu.memref_slice %arg3[%dma_start3A_613, %dma_start3A_614] : memref<1000000x64xf32, #tpu.memory_space<hbm>> -> memref<1000000x64xf32, #tpu.memory_space<hbm>>
      tpu.enqueue_indirect_dma source(%dma_start3A_615 : memref<1000000x64xf32, #tpu.memory_space<hbm>>) target(%dma_start3A_609 : memref<96x64xf32, #tpu.memory_space<vmem>>) offsets(%dma_start3A_612 : memref<96xi32, #tpu.memory_space<vmem>>) semaphore(%arg8 : memref<!tpu.dma_semaphore, #tpu.memory_space<semaphore_mem>>)
      %dma_start3A_616 = arith.constant 3 : i32
      %dma_start3A_617 = arith.constant 3 : i32
      %dma_start3A_618 = arith.constant 1 : i32
      %dma_start3A_619 = arith.constant 0 : i32
      %dma_start3A_620 = tpu.memref_slice %arg6[%dma_start3A_617, %dma_start3A_618, %dma_start3A_619] : memref<4x202x64xf32, #tpu.memory_space<vmem>> -> memref<1x104x64xf32, #tpu.memory_space<vmem>>
      %dma_start3A_621 = tpu.memref_squeeze %dma_start3A_620 : memref<1x104x64xf32, #tpu.memory_space<vmem>> -> memref<104x64xf32, #tpu.memory_space<vmem>>
      %dma_start3A_622 = arith.constant 0 : i32
      %dma_start3A_623 = tpu.memref_slice %arg5[%dma_start3A_616, %dma_start3A_622] : memref<8x104xi32, #tpu.memory_space<vmem>> -> memref<1x104xi32, #tpu.memory_space<vmem>>
      %dma_start3A_624 = tpu.memref_squeeze %dma_start3A_623 : memref<1x104xi32, #tpu.memory_space<vmem>> -> memref<104xi32, #tpu.memory_space<vmem>>
      %dma_start3A_625 = arith.constant 0 : i32
      %dma_start3A_626 = arith.constant 0 : i32
      %dma_start3A_627 = tpu.memref_slice %arg3[%dma_start3A_625, %dma_start3A_626] : memref<1000000x64xf32, #tpu.memory_space<hbm>> -> memref<1000000x64xf32, #tpu.memory_space<hbm>>
      tpu.enqueue_indirect_dma source(%dma_start3A_627 : memref<1000000x64xf32, #tpu.memory_space<hbm>>) target(%dma_start3A_621 : memref<104x64xf32, #tpu.memory_space<vmem>>) offsets(%dma_start3A_624 : memref<104xi32, #tpu.memory_space<vmem>>) semaphore(%arg8 : memref<!tpu.dma_semaphore, #tpu.memory_space<semaphore_mem>>)
      %dma_start3A_628 = arith.constant 7 : i32
      %dma_start3A_629 = arith.constant 3 : i32
      %dma_start3A_630 = arith.constant 105 : i32
      %dma_start3A_631 = arith.constant 0 : i32
      %dma_start3A_632 = tpu.memref_slice %arg6[%dma_start3A_629, %dma_start3A_630, %dma_start3A_631] : memref<4x202x64xf32, #tpu.memory_space<vmem>> -> memref<1x96x64xf32, #tpu.memory_space<vmem>>
      %dma_start3A_633 = tpu.memref_squeeze %dma_start3A_632 : memref<1x96x64xf32, #tpu.memory_space<vmem>> -> memref<96x64xf32, #tpu.memory_space<vmem>>
      %dma_start3A_634 = arith.constant 0 : i32
      %dma_start3A_635 = tpu.memref_slice %arg5[%dma_start3A_628, %dma_start3A_634] : memref<8x104xi32, #tpu.memory_space<vmem>> -> memref<1x96xi32, #tpu.memory_space<vmem>>
      %dma_start3A_636 = tpu.memref_squeeze %dma_start3A_635 : memref<1x96xi32, #tpu.memory_space<vmem>> -> memref<96xi32, #tpu.memory_space<vmem>>
      %dma_start3A_637 = arith.constant 0 : i32
      %dma_start3A_638 = arith.constant 0 : i32
      %dma_start3A_639 = tpu.memref_slice %arg3[%dma_start3A_637, %dma_start3A_638] : memref<1000000x64xf32, #tpu.memory_space<hbm>> -> memref<1000000x64xf32, #tpu.memory_space<hbm>>
      tpu.enqueue_indirect_dma source(%dma_start3A_639 : memref<1000000x64xf32, #tpu.memory_space<hbm>>) target(%dma_start3A_633 : memref<96x64xf32, #tpu.memory_space<vmem>>) offsets(%dma_start3A_636 : memref<96xi32, #tpu.memory_space<vmem>>) semaphore(%arg8 : memref<!tpu.dma_semaphore, #tpu.memory_space<semaphore_mem>>)
      %dma_wait3A_640 = arith.constant 0 : i32
      %dma_wait3A_641 = arith.constant 0 : i32
      %dma_wait3A_642 = arith.constant 1 : i32
      %dma_wait3A_643 = arith.constant 0 : i32
      %dma_wait3A_644 = tpu.memref_slice %arg6[%dma_wait3A_641, %dma_wait3A_642, %dma_wait3A_643] : memref<4x202x64xf32, #tpu.memory_space<vmem>> -> memref<1x104x64xf32, #tpu.memory_space<vmem>>
      %dma_wait3A_645 = tpu.memref_squeeze %dma_wait3A_644 : memref<1x104x64xf32, #tpu.memory_space<vmem>> -> memref<104x64xf32, #tpu.memory_space<vmem>>
      %dma_wait3A_646 = arith.constant 0 : i32
      %dma_wait3A_647 = tpu.memref_slice %arg5[%dma_wait3A_640, %dma_wait3A_646] : memref<8x104xi32, #tpu.memory_space<vmem>> -> memref<1x104xi32, #tpu.memory_space<vmem>>
      %dma_wait3A_648 = tpu.memref_squeeze %dma_wait3A_647 : memref<1x104xi32, #tpu.memory_space<vmem>> -> memref<104xi32, #tpu.memory_space<vmem>>
      %dma_wait3A_649 = arith.constant 0 : i32
      %dma_wait3A_650 = arith.constant 0 : i32
      %dma_wait3A_651 = tpu.memref_slice %arg3[%dma_wait3A_649, %dma_wait3A_650] : memref<1000000x64xf32, #tpu.memory_space<hbm>> -> memref<1000000x64xf32, #tpu.memory_space<hbm>>
      tpu.wait_indirect_dma semaphore(%arg8 : memref<!tpu.dma_semaphore, #tpu.memory_space<semaphore_mem>>) src(%dma_wait3A_651 : memref<1000000x64xf32, #tpu.memory_space<hbm>>) dst(%dma_wait3A_645 : memref<104x64xf32, #tpu.memory_space<vmem>>)
      %dma_wait3A_652 = arith.constant 4 : i32
      %dma_wait3A_653 = arith.constant 0 : i32
      %dma_wait3A_654 = arith.constant 105 : i32
      %dma_wait3A_655 = arith.constant 0 : i32
      %dma_wait3A_656 = tpu.memref_slice %arg6[%dma_wait3A_653, %dma_wait3A_654, %dma_wait3A_655] : memref<4x202x64xf32, #tpu.memory_space<vmem>> -> memref<1x96x64xf32, #tpu.memory_space<vmem>>
      %dma_wait3A_657 = tpu.memref_squeeze %dma_wait3A_656 : memref<1x96x64xf32, #tpu.memory_space<vmem>> -> memref<96x64xf32, #tpu.memory_space<vmem>>
      %dma_wait3A_658 = arith.constant 0 : i32
      %dma_wait3A_659 = tpu.memref_slice %arg5[%dma_wait3A_652, %dma_wait3A_658] : memref<8x104xi32, #tpu.memory_space<vmem>> -> memref<1x96xi32, #tpu.memory_space<vmem>>
      %dma_wait3A_660 = tpu.memref_squeeze %dma_wait3A_659 : memref<1x96xi32, #tpu.memory_space<vmem>> -> memref<96xi32, #tpu.memory_space<vmem>>
      %dma_wait3A_661 = arith.constant 0 : i32
      %dma_wait3A_662 = arith.constant 0 : i32
      %dma_wait3A_663 = tpu.memref_slice %arg3[%dma_wait3A_661, %dma_wait3A_662] : memref<1000000x64xf32, #tpu.memory_space<hbm>> -> memref<1000000x64xf32, #tpu.memory_space<hbm>>
      tpu.wait_indirect_dma semaphore(%arg8 : memref<!tpu.dma_semaphore, #tpu.memory_space<semaphore_mem>>) src(%dma_wait3A_663 : memref<1000000x64xf32, #tpu.memory_space<hbm>>) dst(%dma_wait3A_657 : memref<96x64xf32, #tpu.memory_space<vmem>>)
      %dma_wait3A_664 = arith.constant 1 : i32
      %dma_wait3A_665 = arith.constant 1 : i32
      %dma_wait3A_666 = arith.constant 1 : i32
      %dma_wait3A_667 = arith.constant 0 : i32
      %dma_wait3A_668 = tpu.memref_slice %arg6[%dma_wait3A_665, %dma_wait3A_666, %dma_wait3A_667] : memref<4x202x64xf32, #tpu.memory_space<vmem>> -> memref<1x104x64xf32, #tpu.memory_space<vmem>>
      %dma_wait3A_669 = tpu.memref_squeeze %dma_wait3A_668 : memref<1x104x64xf32, #tpu.memory_space<vmem>> -> memref<104x64xf32, #tpu.memory_space<vmem>>
      %dma_wait3A_670 = arith.constant 0 : i32
      %dma_wait3A_671 = tpu.memref_slice %arg5[%dma_wait3A_664, %dma_wait3A_670] : memref<8x104xi32, #tpu.memory_space<vmem>> -> memref<1x104xi32, #tpu.memory_space<vmem>>
      %dma_wait3A_672 = tpu.memref_squeeze %dma_wait3A_671 : memref<1x104xi32, #tpu.memory_space<vmem>> -> memref<104xi32, #tpu.memory_space<vmem>>
      %dma_wait3A_673 = arith.constant 0 : i32
      %dma_wait3A_674 = arith.constant 0 : i32
      %dma_wait3A_675 = tpu.memref_slice %arg3[%dma_wait3A_673, %dma_wait3A_674] : memref<1000000x64xf32, #tpu.memory_space<hbm>> -> memref<1000000x64xf32, #tpu.memory_space<hbm>>
      tpu.wait_indirect_dma semaphore(%arg8 : memref<!tpu.dma_semaphore, #tpu.memory_space<semaphore_mem>>) src(%dma_wait3A_675 : memref<1000000x64xf32, #tpu.memory_space<hbm>>) dst(%dma_wait3A_669 : memref<104x64xf32, #tpu.memory_space<vmem>>)
      %dma_wait3A_676 = arith.constant 5 : i32
      %dma_wait3A_677 = arith.constant 1 : i32
      %dma_wait3A_678 = arith.constant 105 : i32
      %dma_wait3A_679 = arith.constant 0 : i32
      %dma_wait3A_680 = tpu.memref_slice %arg6[%dma_wait3A_677, %dma_wait3A_678, %dma_wait3A_679] : memref<4x202x64xf32, #tpu.memory_space<vmem>> -> memref<1x96x64xf32, #tpu.memory_space<vmem>>
      %dma_wait3A_681 = tpu.memref_squeeze %dma_wait3A_680 : memref<1x96x64xf32, #tpu.memory_space<vmem>> -> memref<96x64xf32, #tpu.memory_space<vmem>>
      %dma_wait3A_682 = arith.constant 0 : i32
      %dma_wait3A_683 = tpu.memref_slice %arg5[%dma_wait3A_676, %dma_wait3A_682] : memref<8x104xi32, #tpu.memory_space<vmem>> -> memref<1x96xi32, #tpu.memory_space<vmem>>
      %dma_wait3A_684 = tpu.memref_squeeze %dma_wait3A_683 : memref<1x96xi32, #tpu.memory_space<vmem>> -> memref<96xi32, #tpu.memory_space<vmem>>
      %dma_wait3A_685 = arith.constant 0 : i32
      %dma_wait3A_686 = arith.constant 0 : i32
      %dma_wait3A_687 = tpu.memref_slice %arg3[%dma_wait3A_685, %dma_wait3A_686] : memref<1000000x64xf32, #tpu.memory_space<hbm>> -> memref<1000000x64xf32, #tpu.memory_space<hbm>>
      tpu.wait_indirect_dma semaphore(%arg8 : memref<!tpu.dma_semaphore, #tpu.memory_space<semaphore_mem>>) src(%dma_wait3A_687 : memref<1000000x64xf32, #tpu.memory_space<hbm>>) dst(%dma_wait3A_681 : memref<96x64xf32, #tpu.memory_space<vmem>>)
      %dma_wait3A_688 = arith.constant 2 : i32
      %dma_wait3A_689 = arith.constant 2 : i32
      %dma_wait3A_690 = arith.constant 1 : i32
      %dma_wait3A_691 = arith.constant 0 : i32
      %dma_wait3A_692 = tpu.memref_slice %arg6[%dma_wait3A_689, %dma_wait3A_690, %dma_wait3A_691] : memref<4x202x64xf32, #tpu.memory_space<vmem>> -> memref<1x104x64xf32, #tpu.memory_space<vmem>>
      %dma_wait3A_693 = tpu.memref_squeeze %dma_wait3A_692 : memref<1x104x64xf32, #tpu.memory_space<vmem>> -> memref<104x64xf32, #tpu.memory_space<vmem>>
      %dma_wait3A_694 = arith.constant 0 : i32
      %dma_wait3A_695 = tpu.memref_slice %arg5[%dma_wait3A_688, %dma_wait3A_694] : memref<8x104xi32, #tpu.memory_space<vmem>> -> memref<1x104xi32, #tpu.memory_space<vmem>>
      %dma_wait3A_696 = tpu.memref_squeeze %dma_wait3A_695 : memref<1x104xi32, #tpu.memory_space<vmem>> -> memref<104xi32, #tpu.memory_space<vmem>>
      %dma_wait3A_697 = arith.constant 0 : i32
      %dma_wait3A_698 = arith.constant 0 : i32
      %dma_wait3A_699 = tpu.memref_slice %arg3[%dma_wait3A_697, %dma_wait3A_698] : memref<1000000x64xf32, #tpu.memory_space<hbm>> -> memref<1000000x64xf32, #tpu.memory_space<hbm>>
      tpu.wait_indirect_dma semaphore(%arg8 : memref<!tpu.dma_semaphore, #tpu.memory_space<semaphore_mem>>) src(%dma_wait3A_699 : memref<1000000x64xf32, #tpu.memory_space<hbm>>) dst(%dma_wait3A_693 : memref<104x64xf32, #tpu.memory_space<vmem>>)
      %dma_wait3A_700 = arith.constant 6 : i32
      %dma_wait3A_701 = arith.constant 2 : i32
      %dma_wait3A_702 = arith.constant 105 : i32
      %dma_wait3A_703 = arith.constant 0 : i32
      %dma_wait3A_704 = tpu.memref_slice %arg6[%dma_wait3A_701, %dma_wait3A_702, %dma_wait3A_703] : memref<4x202x64xf32, #tpu.memory_space<vmem>> -> memref<1x96x64xf32, #tpu.memory_space<vmem>>
      %dma_wait3A_705 = tpu.memref_squeeze %dma_wait3A_704 : memref<1x96x64xf32, #tpu.memory_space<vmem>> -> memref<96x64xf32, #tpu.memory_space<vmem>>
      %dma_wait3A_706 = arith.constant 0 : i32
      %dma_wait3A_707 = tpu.memref_slice %arg5[%dma_wait3A_700, %dma_wait3A_706] : memref<8x104xi32, #tpu.memory_space<vmem>> -> memref<1x96xi32, #tpu.memory_space<vmem>>
      %dma_wait3A_708 = tpu.memref_squeeze %dma_wait3A_707 : memref<1x96xi32, #tpu.memory_space<vmem>> -> memref<96xi32, #tpu.memory_space<vmem>>
      %dma_wait3A_709 = arith.constant 0 : i32
      %dma_wait3A_710 = arith.constant 0 : i32
      %dma_wait3A_711 = tpu.memref_slice %arg3[%dma_wait3A_709, %dma_wait3A_710] : memref<1000000x64xf32, #tpu.memory_space<hbm>> -> memref<1000000x64xf32, #tpu.memory_space<hbm>>
      tpu.wait_indirect_dma semaphore(%arg8 : memref<!tpu.dma_semaphore, #tpu.memory_space<semaphore_mem>>) src(%dma_wait3A_711 : memref<1000000x64xf32, #tpu.memory_space<hbm>>) dst(%dma_wait3A_705 : memref<96x64xf32, #tpu.memory_space<vmem>>)
      %dma_wait3A_712 = arith.constant 3 : i32
      %dma_wait3A_713 = arith.constant 3 : i32
      %dma_wait3A_714 = arith.constant 1 : i32
      %dma_wait3A_715 = arith.constant 0 : i32
      %dma_wait3A_716 = tpu.memref_slice %arg6[%dma_wait3A_713, %dma_wait3A_714, %dma_wait3A_715] : memref<4x202x64xf32, #tpu.memory_space<vmem>> -> memref<1x104x64xf32, #tpu.memory_space<vmem>>
      %dma_wait3A_717 = tpu.memref_squeeze %dma_wait3A_716 : memref<1x104x64xf32, #tpu.memory_space<vmem>> -> memref<104x64xf32, #tpu.memory_space<vmem>>
      %dma_wait3A_718 = arith.constant 0 : i32
      %dma_wait3A_719 = tpu.memref_slice %arg5[%dma_wait3A_712, %dma_wait3A_718] : memref<8x104xi32, #tpu.memory_space<vmem>> -> memref<1x104xi32, #tpu.memory_space<vmem>>
      %dma_wait3A_720 = tpu.memref_squeeze %dma_wait3A_719 : memref<1x104xi32, #tpu.memory_space<vmem>> -> memref<104xi32, #tpu.memory_space<vmem>>
      %dma_wait3A_721 = arith.constant 0 : i32
      %dma_wait3A_722 = arith.constant 0 : i32
      %dma_wait3A_723 = tpu.memref_slice %arg3[%dma_wait3A_721, %dma_wait3A_722] : memref<1000000x64xf32, #tpu.memory_space<hbm>> -> memref<1000000x64xf32, #tpu.memory_space<hbm>>
      tpu.wait_indirect_dma semaphore(%arg8 : memref<!tpu.dma_semaphore, #tpu.memory_space<semaphore_mem>>) src(%dma_wait3A_723 : memref<1000000x64xf32, #tpu.memory_space<hbm>>) dst(%dma_wait3A_717 : memref<104x64xf32, #tpu.memory_space<vmem>>)
      %dma_wait3A_724 = arith.constant 7 : i32
      %dma_wait3A_725 = arith.constant 3 : i32
      %dma_wait3A_726 = arith.constant 105 : i32
      %dma_wait3A_727 = arith.constant 0 : i32
      %dma_wait3A_728 = tpu.memref_slice %arg6[%dma_wait3A_725, %dma_wait3A_726, %dma_wait3A_727] : memref<4x202x64xf32, #tpu.memory_space<vmem>> -> memref<1x96x64xf32, #tpu.memory_space<vmem>>
      %dma_wait3A_729 = tpu.memref_squeeze %dma_wait3A_728 : memref<1x96x64xf32, #tpu.memory_space<vmem>> -> memref<96x64xf32, #tpu.memory_space<vmem>>
      %dma_wait3A_730 = arith.constant 0 : i32
      %dma_wait3A_731 = tpu.memref_slice %arg5[%dma_wait3A_724, %dma_wait3A_730] : memref<8x104xi32, #tpu.memory_space<vmem>> -> memref<1x96xi32, #tpu.memory_space<vmem>>
      %dma_wait3A_732 = tpu.memref_squeeze %dma_wait3A_731 : memref<1x96xi32, #tpu.memory_space<vmem>> -> memref<96xi32, #tpu.memory_space<vmem>>
      %dma_wait3A_733 = arith.constant 0 : i32
      %dma_wait3A_734 = arith.constant 0 : i32
      %dma_wait3A_735 = tpu.memref_slice %arg3[%dma_wait3A_733, %dma_wait3A_734] : memref<1000000x64xf32, #tpu.memory_space<hbm>> -> memref<1000000x64xf32, #tpu.memory_space<hbm>>
      tpu.wait_indirect_dma semaphore(%arg8 : memref<!tpu.dma_semaphore, #tpu.memory_space<semaphore_mem>>) src(%dma_wait3A_735 : memref<1000000x64xf32, #tpu.memory_space<hbm>>) dst(%dma_wait3A_729 : memref<96x64xf32, #tpu.memory_space<vmem>>)
      %dma_start3A_736 = arith.constant 0 : i32
      %dma_start3A_737 = arith.constant 0 : i32
      %dma_start3A_738 = tpu.memref_slice %arg4[%add3A_544, %dma_start3A_736, %dma_start3A_737] : memref<4096x202x64xf32, #tpu.memory_space<hbm>> -> memref<4x202x64xf32, #tpu.memory_space<hbm>>
      %dma_start3A_739 = arith.constant 0 : i32
      %dma_start3A_740 = arith.constant 0 : i32
      %dma_start3A_741 = tpu.memref_slice %arg4[%add3A_544, %dma_start3A_739, %dma_start3A_740] : memref<4096x202x64xf32, #tpu.memory_space<hbm>> -> memref<4x202x64xf32, #tpu.memory_space<hbm>>
      tpu.enqueue_dma source(%arg6 : memref<4x202x64xf32, #tpu.memory_space<vmem>>) target(%dma_start3A_741 : memref<4x202x64xf32, #tpu.memory_space<hbm>>) target_semaphore(%arg9 : memref<!tpu.dma_semaphore, #tpu.memory_space<semaphore_mem>>)
      %ge3A_742 = arith.constant 1 : i32
      %ge3A_743 = arith.cmpi sge, %scan3A_533, %ge3A_742 : i32
      %convert_element_type3A_744 = arith.extui %ge3A_743 : i1 to i32
      %cond3A_745 = arith.constant 0 : i32
      %cond3A_746 = arith.cmpi ne, %convert_element_type3A_744, %cond3A_745 : i32
      scf.if %cond3A_746 {
        %dma_wait3A_954 = arith.constant 0 : i32
        %dma_wait3A_955 = arith.constant 0 : i32
        %dma_wait3A_956 = arith.constant 0 : i32
        %dma_wait3A_957 = tpu.memref_slice %arg4[%dma_wait3A_954, %dma_wait3A_955, %dma_wait3A_956] : memref<4096x202x64xf32, #tpu.memory_space<hbm>> -> memref<4x202x64xf32, #tpu.memory_space<hbm>>
        %dma_wait3A_958 = arith.constant 0 : i32
        %dma_wait3A_959 = arith.constant 0 : i32
        %dma_wait3A_960 = arith.constant 0 : i32
        %dma_wait3A_961 = tpu.memref_slice %arg4[%dma_wait3A_958, %dma_wait3A_959, %dma_wait3A_960] : memref<4096x202x64xf32, #tpu.memory_space<hbm>> -> memref<4x202x64xf32, #tpu.memory_space<hbm>>
        tpu.wait_dma2 semaphore(%arg10 : memref<!tpu.dma_semaphore, #tpu.memory_space<semaphore_mem>>) src(%arg7 : memref<4x202x64xf32, #tpu.memory_space<vmem>>) dst(%dma_wait3A_961 : memref<4x202x64xf32, #tpu.memory_space<hbm>>)
      } else {
      }
      %mul3A_747 = arith.constant 2 : i32
      %mul3A_748 = arith.muli %mul3A_747, %scan3A_533 : i32
      %add3A_749 = arith.constant 1 : i32
      %add3A_750 = arith.addi %mul3A_748, %add3A_749 : i32
      %mul3A_751 = arith.constant 128 : i32
      %mul3A_752 = arith.muli %add3A, %mul3A_751 : i32
      %mul3A_753 = arith.constant 4 : i32
      %mul3A_754 = arith.muli %add3A_750, %mul3A_753 : i32
      %add3A_755 = arith.addi %mul3A_752, %mul3A_754 : i32
      "tpu.region"() ({
        %run_scoped3A = tpu.sem_alloc : memref<!tpu.dma_semaphore, #tpu.memory_space<semaphore_mem>>
        %dma_start3A_954 = arith.constant 0 : i32
        %dma_start3A_955 = arith.constant 0 : i32
        %dma_start3A_956 = tpu.memref_slice %arg5[%dma_start3A_954, %dma_start3A_955] : memref<8x104xi32, #tpu.memory_space<vmem>> -> memref<4x104xi32, #tpu.memory_space<vmem>>
        %dma_start3A_957 = arith.constant 0 : i32
        %dma_start3A_958 = tpu.memref_slice %arg2[%add3A_755, %dma_start3A_957] : memref<4096x200xi32, #tpu.memory_space<hbm>> -> memref<4x104xi32, #tpu.memory_space<hbm>>
        %dma_start3A_959 = arith.constant 0 : i32
        %dma_start3A_960 = arith.constant 0 : i32
        %dma_start3A_961 = tpu.memref_slice %arg5[%dma_start3A_959, %dma_start3A_960] : memref<8x104xi32, #tpu.memory_space<vmem>> -> memref<4x104xi32, #tpu.memory_space<vmem>>
        %dma_start3A_962 = arith.constant 0 : i32
        %dma_start3A_963 = tpu.memref_slice %arg2[%add3A_755, %dma_start3A_962] : memref<4096x200xi32, #tpu.memory_space<hbm>> -> memref<4x104xi32, #tpu.memory_space<hbm>>
        tpu.enqueue_dma source(%dma_start3A_963 : memref<4x104xi32, #tpu.memory_space<hbm>>) target(%dma_start3A_961 : memref<4x104xi32, #tpu.memory_space<vmem>>) target_semaphore(%run_scoped3A : memref<!tpu.dma_semaphore, #tpu.memory_space<semaphore_mem>>)
        %dma_wait3A_964 = arith.constant 0 : i32
        %dma_wait3A_965 = arith.constant 0 : i32
        %dma_wait3A_966 = tpu.memref_slice %arg5[%dma_wait3A_964, %dma_wait3A_965] : memref<8x104xi32, #tpu.memory_space<vmem>> -> memref<4x104xi32, #tpu.memory_space<vmem>>
        %dma_wait3A_967 = arith.constant 0 : i32
        %dma_wait3A_968 = tpu.memref_slice %arg2[%add3A_755, %dma_wait3A_967] : memref<4096x200xi32, #tpu.memory_space<hbm>> -> memref<4x104xi32, #tpu.memory_space<hbm>>
        %dma_wait3A_969 = arith.constant 0 : i32
        %dma_wait3A_970 = arith.constant 0 : i32
        %dma_wait3A_971 = tpu.memref_slice %arg5[%dma_wait3A_969, %dma_wait3A_970] : memref<8x104xi32, #tpu.memory_space<vmem>> -> memref<4x104xi32, #tpu.memory_space<vmem>>
        %dma_wait3A_972 = arith.constant 0 : i32
        %dma_wait3A_973 = tpu.memref_slice %arg2[%add3A_755, %dma_wait3A_972] : memref<4096x200xi32, #tpu.memory_space<hbm>> -> memref<4x104xi32, #tpu.memory_space<hbm>>
        tpu.wait_dma2 semaphore(%run_scoped3A : memref<!tpu.dma_semaphore, #tpu.memory_space<semaphore_mem>>) src(%dma_wait3A_973 : memref<4x104xi32, #tpu.memory_space<hbm>>) dst(%dma_wait3A_971 : memref<4x104xi32, #tpu.memory_space<vmem>>)
        tpu.yield
      }) : () -> ()
      "tpu.region"() ({
        %run_scoped3A = tpu.sem_alloc : memref<!tpu.dma_semaphore, #tpu.memory_space<semaphore_mem>>
        %dma_start3A_954 = arith.constant 4 : i32
        %dma_start3A_955 = arith.constant 0 : i32
        %dma_start3A_956 = tpu.memref_slice %arg5[%dma_start3A_954, %dma_start3A_955] : memref<8x104xi32, #tpu.memory_space<vmem>> -> memref<4x96xi32, #tpu.memory_space<vmem>>
        %dma_start3A_957 = arith.constant 104 : i32
        %dma_start3A_958 = tpu.memref_slice %arg2[%add3A_755, %dma_start3A_957] : memref<4096x200xi32, #tpu.memory_space<hbm>> -> memref<4x96xi32, #tpu.memory_space<hbm>>
        %dma_start3A_959 = arith.constant 4 : i32
        %dma_start3A_960 = arith.constant 0 : i32
        %dma_start3A_961 = tpu.memref_slice %arg5[%dma_start3A_959, %dma_start3A_960] : memref<8x104xi32, #tpu.memory_space<vmem>> -> memref<4x96xi32, #tpu.memory_space<vmem>>
        %dma_start3A_962 = arith.constant 104 : i32
        %dma_start3A_963 = tpu.memref_slice %arg2[%add3A_755, %dma_start3A_962] : memref<4096x200xi32, #tpu.memory_space<hbm>> -> memref<4x96xi32, #tpu.memory_space<hbm>>
        tpu.enqueue_dma source(%dma_start3A_963 : memref<4x96xi32, #tpu.memory_space<hbm>>) target(%dma_start3A_961 : memref<4x96xi32, #tpu.memory_space<vmem>>) target_semaphore(%run_scoped3A : memref<!tpu.dma_semaphore, #tpu.memory_space<semaphore_mem>>)
        %dma_wait3A_964 = arith.constant 4 : i32
        %dma_wait3A_965 = arith.constant 0 : i32
        %dma_wait3A_966 = tpu.memref_slice %arg5[%dma_wait3A_964, %dma_wait3A_965] : memref<8x104xi32, #tpu.memory_space<vmem>> -> memref<4x96xi32, #tpu.memory_space<vmem>>
        %dma_wait3A_967 = arith.constant 104 : i32
        %dma_wait3A_968 = tpu.memref_slice %arg2[%add3A_755, %dma_wait3A_967] : memref<4096x200xi32, #tpu.memory_space<hbm>> -> memref<4x96xi32, #tpu.memory_space<hbm>>
        %dma_wait3A_969 = arith.constant 4 : i32
        %dma_wait3A_970 = arith.constant 0 : i32
        %dma_wait3A_971 = tpu.memref_slice %arg5[%dma_wait3A_969, %dma_wait3A_970] : memref<8x104xi32, #tpu.memory_space<vmem>> -> memref<4x96xi32, #tpu.memory_space<vmem>>
        %dma_wait3A_972 = arith.constant 104 : i32
        %dma_wait3A_973 = tpu.memref_slice %arg2[%add3A_755, %dma_wait3A_972] : memref<4096x200xi32, #tpu.memory_space<hbm>> -> memref<4x96xi32, #tpu.memory_space<hbm>>
        tpu.wait_dma2 semaphore(%run_scoped3A : memref<!tpu.dma_semaphore, #tpu.memory_space<semaphore_mem>>) src(%dma_wait3A_973 : memref<4x96xi32, #tpu.memory_space<hbm>>) dst(%dma_wait3A_971 : memref<4x96xi32, #tpu.memory_space<vmem>>)
        tpu.yield
      }) : () -> ()
      %dma_start3A_756 = arith.constant 0 : i32
      %dma_start3A_757 = arith.constant 0 : i32
      %dma_start3A_758 = arith.constant 1 : i32
      %dma_start3A_759 = arith.constant 0 : i32
      %dma_start3A_760 = tpu.memref_slice %arg7[%dma_start3A_757, %dma_start3A_758, %dma_start3A_759] : memref<4x202x64xf32, #tpu.memory_space<vmem>> -> memref<1x104x64xf32, #tpu.memory_space<vmem>>
      %dma_start3A_761 = tpu.memref_squeeze %dma_start3A_760 : memref<1x104x64xf32, #tpu.memory_space<vmem>> -> memref<104x64xf32, #tpu.memory_space<vmem>>
      %dma_start3A_762 = arith.constant 0 : i32
      %dma_start3A_763 = tpu.memref_slice %arg5[%dma_start3A_756, %dma_start3A_762] : memref<8x104xi32, #tpu.memory_space<vmem>> -> memref<1x104xi32, #tpu.memory_space<vmem>>
      %dma_start3A_764 = tpu.memref_squeeze %dma_start3A_763 : memref<1x104xi32, #tpu.memory_space<vmem>> -> memref<104xi32, #tpu.memory_space<vmem>>
      %dma_start3A_765 = arith.constant 0 : i32
      %dma_start3A_766 = arith.constant 0 : i32
      %dma_start3A_767 = tpu.memref_slice %arg3[%dma_start3A_765, %dma_start3A_766] : memref<1000000x64xf32, #tpu.memory_space<hbm>> -> memref<1000000x64xf32, #tpu.memory_space<hbm>>
      tpu.enqueue_indirect_dma source(%dma_start3A_767 : memref<1000000x64xf32, #tpu.memory_space<hbm>>) target(%dma_start3A_761 : memref<104x64xf32, #tpu.memory_space<vmem>>) offsets(%dma_start3A_764 : memref<104xi32, #tpu.memory_space<vmem>>) semaphore(%arg8 : memref<!tpu.dma_semaphore, #tpu.memory_space<semaphore_mem>>)
      %dma_start3A_768 = arith.constant 4 : i32
      %dma_start3A_769 = arith.constant 0 : i32
      %dma_start3A_770 = arith.constant 105 : i32
      %dma_start3A_771 = arith.constant 0 : i32
      %dma_start3A_772 = tpu.memref_slice %arg7[%dma_start3A_769, %dma_start3A_770, %dma_start3A_771] : memref<4x202x64xf32, #tpu.memory_space<vmem>> -> memref<1x96x64xf32, #tpu.memory_space<vmem>>
      %dma_start3A_773 = tpu.memref_squeeze %dma_start3A_772 : memref<1x96x64xf32, #tpu.memory_space<vmem>> -> memref<96x64xf32, #tpu.memory_space<vmem>>
      %dma_start3A_774 = arith.constant 0 : i32
      %dma_start3A_775 = tpu.memref_slice %arg5[%dma_start3A_768, %dma_start3A_774] : memref<8x104xi32, #tpu.memory_space<vmem>> -> memref<1x96xi32, #tpu.memory_space<vmem>>
      %dma_start3A_776 = tpu.memref_squeeze %dma_start3A_775 : memref<1x96xi32, #tpu.memory_space<vmem>> -> memref<96xi32, #tpu.memory_space<vmem>>
      %dma_start3A_777 = arith.constant 0 : i32
      %dma_start3A_778 = arith.constant 0 : i32
      %dma_start3A_779 = tpu.memref_slice %arg3[%dma_start3A_777, %dma_start3A_778] : memref<1000000x64xf32, #tpu.memory_space<hbm>> -> memref<1000000x64xf32, #tpu.memory_space<hbm>>
      tpu.enqueue_indirect_dma source(%dma_start3A_779 : memref<1000000x64xf32, #tpu.memory_space<hbm>>) target(%dma_start3A_773 : memref<96x64xf32, #tpu.memory_space<vmem>>) offsets(%dma_start3A_776 : memref<96xi32, #tpu.memory_space<vmem>>) semaphore(%arg8 : memref<!tpu.dma_semaphore, #tpu.memory_space<semaphore_mem>>)
      %dma_start3A_780 = arith.constant 1 : i32
      %dma_start3A_781 = arith.constant 1 : i32
      %dma_start3A_782 = arith.constant 1 : i32
      %dma_start3A_783 = arith.constant 0 : i32
      %dma_start3A_784 = tpu.memref_slice %arg7[%dma_start3A_781, %dma_start3A_782, %dma_start3A_783] : memref<4x202x64xf32, #tpu.memory_space<vmem>> -> memref<1x104x64xf32, #tpu.memory_space<vmem>>
      %dma_start3A_785 = tpu.memref_squeeze %dma_start3A_784 : memref<1x104x64xf32, #tpu.memory_space<vmem>> -> memref<104x64xf32, #tpu.memory_space<vmem>>
      %dma_start3A_786 = arith.constant 0 : i32
      %dma_start3A_787 = tpu.memref_slice %arg5[%dma_start3A_780, %dma_start3A_786] : memref<8x104xi32, #tpu.memory_space<vmem>> -> memref<1x104xi32, #tpu.memory_space<vmem>>
      %dma_start3A_788 = tpu.memref_squeeze %dma_start3A_787 : memref<1x104xi32, #tpu.memory_space<vmem>> -> memref<104xi32, #tpu.memory_space<vmem>>
      %dma_start3A_789 = arith.constant 0 : i32
      %dma_start3A_790 = arith.constant 0 : i32
      %dma_start3A_791 = tpu.memref_slice %arg3[%dma_start3A_789, %dma_start3A_790] : memref<1000000x64xf32, #tpu.memory_space<hbm>> -> memref<1000000x64xf32, #tpu.memory_space<hbm>>
      tpu.enqueue_indirect_dma source(%dma_start3A_791 : memref<1000000x64xf32, #tpu.memory_space<hbm>>) target(%dma_start3A_785 : memref<104x64xf32, #tpu.memory_space<vmem>>) offsets(%dma_start3A_788 : memref<104xi32, #tpu.memory_space<vmem>>) semaphore(%arg8 : memref<!tpu.dma_semaphore, #tpu.memory_space<semaphore_mem>>)
      %dma_start3A_792 = arith.constant 5 : i32
      %dma_start3A_793 = arith.constant 1 : i32
      %dma_start3A_794 = arith.constant 105 : i32
      %dma_start3A_795 = arith.constant 0 : i32
      %dma_start3A_796 = tpu.memref_slice %arg7[%dma_start3A_793, %dma_start3A_794, %dma_start3A_795] : memref<4x202x64xf32, #tpu.memory_space<vmem>> -> memref<1x96x64xf32, #tpu.memory_space<vmem>>
      %dma_start3A_797 = tpu.memref_squeeze %dma_start3A_796 : memref<1x96x64xf32, #tpu.memory_space<vmem>> -> memref<96x64xf32, #tpu.memory_space<vmem>>
      %dma_start3A_798 = arith.constant 0 : i32
      %dma_start3A_799 = tpu.memref_slice %arg5[%dma_start3A_792, %dma_start3A_798] : memref<8x104xi32, #tpu.memory_space<vmem>> -> memref<1x96xi32, #tpu.memory_space<vmem>>
      %dma_start3A_800 = tpu.memref_squeeze %dma_start3A_799 : memref<1x96xi32, #tpu.memory_space<vmem>> -> memref<96xi32, #tpu.memory_space<vmem>>
      %dma_start3A_801 = arith.constant 0 : i32
      %dma_start3A_802 = arith.constant 0 : i32
      %dma_start3A_803 = tpu.memref_slice %arg3[%dma_start3A_801, %dma_start3A_802] : memref<1000000x64xf32, #tpu.memory_space<hbm>> -> memref<1000000x64xf32, #tpu.memory_space<hbm>>
      tpu.enqueue_indirect_dma source(%dma_start3A_803 : memref<1000000x64xf32, #tpu.memory_space<hbm>>) target(%dma_start3A_797 : memref<96x64xf32, #tpu.memory_space<vmem>>) offsets(%dma_start3A_800 : memref<96xi32, #tpu.memory_space<vmem>>) semaphore(%arg8 : memref<!tpu.dma_semaphore, #tpu.memory_space<semaphore_mem>>)
      %dma_start3A_804 = arith.constant 2 : i32
      %dma_start3A_805 = arith.constant 2 : i32
      %dma_start3A_806 = arith.constant 1 : i32
      %dma_start3A_807 = arith.constant 0 : i32
      %dma_start3A_808 = tpu.memref_slice %arg7[%dma_start3A_805, %dma_start3A_806, %dma_start3A_807] : memref<4x202x64xf32, #tpu.memory_space<vmem>> -> memref<1x104x64xf32, #tpu.memory_space<vmem>>
      %dma_start3A_809 = tpu.memref_squeeze %dma_start3A_808 : memref<1x104x64xf32, #tpu.memory_space<vmem>> -> memref<104x64xf32, #tpu.memory_space<vmem>>
      %dma_start3A_810 = arith.constant 0 : i32
      %dma_start3A_811 = tpu.memref_slice %arg5[%dma_start3A_804, %dma_start3A_810] : memref<8x104xi32, #tpu.memory_space<vmem>> -> memref<1x104xi32, #tpu.memory_space<vmem>>
      %dma_start3A_812 = tpu.memref_squeeze %dma_start3A_811 : memref<1x104xi32, #tpu.memory_space<vmem>> -> memref<104xi32, #tpu.memory_space<vmem>>
      %dma_start3A_813 = arith.constant 0 : i32
      %dma_start3A_814 = arith.constant 0 : i32
      %dma_start3A_815 = tpu.memref_slice %arg3[%dma_start3A_813, %dma_start3A_814] : memref<1000000x64xf32, #tpu.memory_space<hbm>> -> memref<1000000x64xf32, #tpu.memory_space<hbm>>
      tpu.enqueue_indirect_dma source(%dma_start3A_815 : memref<1000000x64xf32, #tpu.memory_space<hbm>>) target(%dma_start3A_809 : memref<104x64xf32, #tpu.memory_space<vmem>>) offsets(%dma_start3A_812 : memref<104xi32, #tpu.memory_space<vmem>>) semaphore(%arg8 : memref<!tpu.dma_semaphore, #tpu.memory_space<semaphore_mem>>)
      %dma_start3A_816 = arith.constant 6 : i32
      %dma_start3A_817 = arith.constant 2 : i32
      %dma_start3A_818 = arith.constant 105 : i32
      %dma_start3A_819 = arith.constant 0 : i32
      %dma_start3A_820 = tpu.memref_slice %arg7[%dma_start3A_817, %dma_start3A_818, %dma_start3A_819] : memref<4x202x64xf32, #tpu.memory_space<vmem>> -> memref<1x96x64xf32, #tpu.memory_space<vmem>>
      %dma_start3A_821 = tpu.memref_squeeze %dma_start3A_820 : memref<1x96x64xf32, #tpu.memory_space<vmem>> -> memref<96x64xf32, #tpu.memory_space<vmem>>
      %dma_start3A_822 = arith.constant 0 : i32
      %dma_start3A_823 = tpu.memref_slice %arg5[%dma_start3A_816, %dma_start3A_822] : memref<8x104xi32, #tpu.memory_space<vmem>> -> memref<1x96xi32, #tpu.memory_space<vmem>>
      %dma_start3A_824 = tpu.memref_squeeze %dma_start3A_823 : memref<1x96xi32, #tpu.memory_space<vmem>> -> memref<96xi32, #tpu.memory_space<vmem>>
      %dma_start3A_825 = arith.constant 0 : i32
      %dma_start3A_826 = arith.constant 0 : i32
      %dma_start3A_827 = tpu.memref_slice %arg3[%dma_start3A_825, %dma_start3A_826] : memref<1000000x64xf32, #tpu.memory_space<hbm>> -> memref<1000000x64xf32, #tpu.memory_space<hbm>>
      tpu.enqueue_indirect_dma source(%dma_start3A_827 : memref<1000000x64xf32, #tpu.memory_space<hbm>>) target(%dma_start3A_821 : memref<96x64xf32, #tpu.memory_space<vmem>>) offsets(%dma_start3A_824 : memref<96xi32, #tpu.memory_space<vmem>>) semaphore(%arg8 : memref<!tpu.dma_semaphore, #tpu.memory_space<semaphore_mem>>)
      %dma_start3A_828 = arith.constant 3 : i32
      %dma_start3A_829 = arith.constant 3 : i32
      %dma_start3A_830 = arith.constant 1 : i32
      %dma_start3A_831 = arith.constant 0 : i32
      %dma_start3A_832 = tpu.memref_slice %arg7[%dma_start3A_829, %dma_start3A_830, %dma_start3A_831] : memref<4x202x64xf32, #tpu.memory_space<vmem>> -> memref<1x104x64xf32, #tpu.memory_space<vmem>>
      %dma_start3A_833 = tpu.memref_squeeze %dma_start3A_832 : memref<1x104x64xf32, #tpu.memory_space<vmem>> -> memref<104x64xf32, #tpu.memory_space<vmem>>
      %dma_start3A_834 = arith.constant 0 : i32
      %dma_start3A_835 = tpu.memref_slice %arg5[%dma_start3A_828, %dma_start3A_834] : memref<8x104xi32, #tpu.memory_space<vmem>> -> memref<1x104xi32, #tpu.memory_space<vmem>>
      %dma_start3A_836 = tpu.memref_squeeze %dma_start3A_835 : memref<1x104xi32, #tpu.memory_space<vmem>> -> memref<104xi32, #tpu.memory_space<vmem>>
      %dma_start3A_837 = arith.constant 0 : i32
      %dma_start3A_838 = arith.constant 0 : i32
      %dma_start3A_839 = tpu.memref_slice %arg3[%dma_start3A_837, %dma_start3A_838] : memref<1000000x64xf32, #tpu.memory_space<hbm>> -> memref<1000000x64xf32, #tpu.memory_space<hbm>>
      tpu.enqueue_indirect_dma source(%dma_start3A_839 : memref<1000000x64xf32, #tpu.memory_space<hbm>>) target(%dma_start3A_833 : memref<104x64xf32, #tpu.memory_space<vmem>>) offsets(%dma_start3A_836 : memref<104xi32, #tpu.memory_space<vmem>>) semaphore(%arg8 : memref<!tpu.dma_semaphore, #tpu.memory_space<semaphore_mem>>)
      %dma_start3A_840 = arith.constant 7 : i32
      %dma_start3A_841 = arith.constant 3 : i32
      %dma_start3A_842 = arith.constant 105 : i32
      %dma_start3A_843 = arith.constant 0 : i32
      %dma_start3A_844 = tpu.memref_slice %arg7[%dma_start3A_841, %dma_start3A_842, %dma_start3A_843] : memref<4x202x64xf32, #tpu.memory_space<vmem>> -> memref<1x96x64xf32, #tpu.memory_space<vmem>>
      %dma_start3A_845 = tpu.memref_squeeze %dma_start3A_844 : memref<1x96x64xf32, #tpu.memory_space<vmem>> -> memref<96x64xf32, #tpu.memory_space<vmem>>
      %dma_start3A_846 = arith.constant 0 : i32
      %dma_start3A_847 = tpu.memref_slice %arg5[%dma_start3A_840, %dma_start3A_846] : memref<8x104xi32, #tpu.memory_space<vmem>> -> memref<1x96xi32, #tpu.memory_space<vmem>>
      %dma_start3A_848 = tpu.memref_squeeze %dma_start3A_847 : memref<1x96xi32, #tpu.memory_space<vmem>> -> memref<96xi32, #tpu.memory_space<vmem>>
      %dma_start3A_849 = arith.constant 0 : i32
      %dma_start3A_850 = arith.constant 0 : i32
      %dma_start3A_851 = tpu.memref_slice %arg3[%dma_start3A_849, %dma_start3A_850] : memref<1000000x64xf32, #tpu.memory_space<hbm>> -> memref<1000000x64xf32, #tpu.memory_space<hbm>>
      tpu.enqueue_indirect_dma source(%dma_start3A_851 : memref<1000000x64xf32, #tpu.memory_space<hbm>>) target(%dma_start3A_845 : memref<96x64xf32, #tpu.memory_space<vmem>>) offsets(%dma_start3A_848 : memref<96xi32, #tpu.memory_space<vmem>>) semaphore(%arg8 : memref<!tpu.dma_semaphore, #tpu.memory_space<semaphore_mem>>)
      %dma_wait3A_852 = arith.constant 0 : i32
      %dma_wait3A_853 = arith.constant 0 : i32
      %dma_wait3A_854 = arith.constant 1 : i32
      %dma_wait3A_855 = arith.constant 0 : i32
      %dma_wait3A_856 = tpu.memref_slice %arg7[%dma_wait3A_853, %dma_wait3A_854, %dma_wait3A_855] : memref<4x202x64xf32, #tpu.memory_space<vmem>> -> memref<1x104x64xf32, #tpu.memory_space<vmem>>
      %dma_wait3A_857 = tpu.memref_squeeze %dma_wait3A_856 : memref<1x104x64xf32, #tpu.memory_space<vmem>> -> memref<104x64xf32, #tpu.memory_space<vmem>>
      %dma_wait3A_858 = arith.constant 0 : i32
      %dma_wait3A_859 = tpu.memref_slice %arg5[%dma_wait3A_852, %dma_wait3A_858] : memref<8x104xi32, #tpu.memory_space<vmem>> -> memref<1x104xi32, #tpu.memory_space<vmem>>
      %dma_wait3A_860 = tpu.memref_squeeze %dma_wait3A_859 : memref<1x104xi32, #tpu.memory_space<vmem>> -> memref<104xi32, #tpu.memory_space<vmem>>
      %dma_wait3A_861 = arith.constant 0 : i32
      %dma_wait3A_862 = arith.constant 0 : i32
      %dma_wait3A_863 = tpu.memref_slice %arg3[%dma_wait3A_861, %dma_wait3A_862] : memref<1000000x64xf32, #tpu.memory_space<hbm>> -> memref<1000000x64xf32, #tpu.memory_space<hbm>>
      tpu.wait_indirect_dma semaphore(%arg8 : memref<!tpu.dma_semaphore, #tpu.memory_space<semaphore_mem>>) src(%dma_wait3A_863 : memref<1000000x64xf32, #tpu.memory_space<hbm>>) dst(%dma_wait3A_857 : memref<104x64xf32, #tpu.memory_space<vmem>>)
      %dma_wait3A_864 = arith.constant 4 : i32
      %dma_wait3A_865 = arith.constant 0 : i32
      %dma_wait3A_866 = arith.constant 105 : i32
      %dma_wait3A_867 = arith.constant 0 : i32
      %dma_wait3A_868 = tpu.memref_slice %arg7[%dma_wait3A_865, %dma_wait3A_866, %dma_wait3A_867] : memref<4x202x64xf32, #tpu.memory_space<vmem>> -> memref<1x96x64xf32, #tpu.memory_space<vmem>>
      %dma_wait3A_869 = tpu.memref_squeeze %dma_wait3A_868 : memref<1x96x64xf32, #tpu.memory_space<vmem>> -> memref<96x64xf32, #tpu.memory_space<vmem>>
      %dma_wait3A_870 = arith.constant 0 : i32
      %dma_wait3A_871 = tpu.memref_slice %arg5[%dma_wait3A_864, %dma_wait3A_870] : memref<8x104xi32, #tpu.memory_space<vmem>> -> memref<1x96xi32, #tpu.memory_space<vmem>>
      %dma_wait3A_872 = tpu.memref_squeeze %dma_wait3A_871 : memref<1x96xi32, #tpu.memory_space<vmem>> -> memref<96xi32, #tpu.memory_space<vmem>>
      %dma_wait3A_873 = arith.constant 0 : i32
      %dma_wait3A_874 = arith.constant 0 : i32
      %dma_wait3A_875 = tpu.memref_slice %arg3[%dma_wait3A_873, %dma_wait3A_874] : memref<1000000x64xf32, #tpu.memory_space<hbm>> -> memref<1000000x64xf32, #tpu.memory_space<hbm>>
      tpu.wait_indirect_dma semaphore(%arg8 : memref<!tpu.dma_semaphore, #tpu.memory_space<semaphore_mem>>) src(%dma_wait3A_875 : memref<1000000x64xf32, #tpu.memory_space<hbm>>) dst(%dma_wait3A_869 : memref<96x64xf32, #tpu.memory_space<vmem>>)
      %dma_wait3A_876 = arith.constant 1 : i32
      %dma_wait3A_877 = arith.constant 1 : i32
      %dma_wait3A_878 = arith.constant 1 : i32
      %dma_wait3A_879 = arith.constant 0 : i32
      %dma_wait3A_880 = tpu.memref_slice %arg7[%dma_wait3A_877, %dma_wait3A_878, %dma_wait3A_879] : memref<4x202x64xf32, #tpu.memory_space<vmem>> -> memref<1x104x64xf32, #tpu.memory_space<vmem>>
      %dma_wait3A_881 = tpu.memref_squeeze %dma_wait3A_880 : memref<1x104x64xf32, #tpu.memory_space<vmem>> -> memref<104x64xf32, #tpu.memory_space<vmem>>
      %dma_wait3A_882 = arith.constant 0 : i32
      %dma_wait3A_883 = tpu.memref_slice %arg5[%dma_wait3A_876, %dma_wait3A_882] : memref<8x104xi32, #tpu.memory_space<vmem>> -> memref<1x104xi32, #tpu.memory_space<vmem>>
      %dma_wait3A_884 = tpu.memref_squeeze %dma_wait3A_883 : memref<1x104xi32, #tpu.memory_space<vmem>> -> memref<104xi32, #tpu.memory_space<vmem>>
      %dma_wait3A_885 = arith.constant 0 : i32
      %dma_wait3A_886 = arith.constant 0 : i32
      %dma_wait3A_887 = tpu.memref_slice %arg3[%dma_wait3A_885, %dma_wait3A_886] : memref<1000000x64xf32, #tpu.memory_space<hbm>> -> memref<1000000x64xf32, #tpu.memory_space<hbm>>
      tpu.wait_indirect_dma semaphore(%arg8 : memref<!tpu.dma_semaphore, #tpu.memory_space<semaphore_mem>>) src(%dma_wait3A_887 : memref<1000000x64xf32, #tpu.memory_space<hbm>>) dst(%dma_wait3A_881 : memref<104x64xf32, #tpu.memory_space<vmem>>)
      %dma_wait3A_888 = arith.constant 5 : i32
      %dma_wait3A_889 = arith.constant 1 : i32
      %dma_wait3A_890 = arith.constant 105 : i32
      %dma_wait3A_891 = arith.constant 0 : i32
      %dma_wait3A_892 = tpu.memref_slice %arg7[%dma_wait3A_889, %dma_wait3A_890, %dma_wait3A_891] : memref<4x202x64xf32, #tpu.memory_space<vmem>> -> memref<1x96x64xf32, #tpu.memory_space<vmem>>
      %dma_wait3A_893 = tpu.memref_squeeze %dma_wait3A_892 : memref<1x96x64xf32, #tpu.memory_space<vmem>> -> memref<96x64xf32, #tpu.memory_space<vmem>>
      %dma_wait3A_894 = arith.constant 0 : i32
      %dma_wait3A_895 = tpu.memref_slice %arg5[%dma_wait3A_888, %dma_wait3A_894] : memref<8x104xi32, #tpu.memory_space<vmem>> -> memref<1x96xi32, #tpu.memory_space<vmem>>
      %dma_wait3A_896 = tpu.memref_squeeze %dma_wait3A_895 : memref<1x96xi32, #tpu.memory_space<vmem>> -> memref<96xi32, #tpu.memory_space<vmem>>
      %dma_wait3A_897 = arith.constant 0 : i32
      %dma_wait3A_898 = arith.constant 0 : i32
      %dma_wait3A_899 = tpu.memref_slice %arg3[%dma_wait3A_897, %dma_wait3A_898] : memref<1000000x64xf32, #tpu.memory_space<hbm>> -> memref<1000000x64xf32, #tpu.memory_space<hbm>>
      tpu.wait_indirect_dma semaphore(%arg8 : memref<!tpu.dma_semaphore, #tpu.memory_space<semaphore_mem>>) src(%dma_wait3A_899 : memref<1000000x64xf32, #tpu.memory_space<hbm>>) dst(%dma_wait3A_893 : memref<96x64xf32, #tpu.memory_space<vmem>>)
      %dma_wait3A_900 = arith.constant 2 : i32
      %dma_wait3A_901 = arith.constant 2 : i32
      %dma_wait3A_902 = arith.constant 1 : i32
      %dma_wait3A_903 = arith.constant 0 : i32
      %dma_wait3A_904 = tpu.memref_slice %arg7[%dma_wait3A_901, %dma_wait3A_902, %dma_wait3A_903] : memref<4x202x64xf32, #tpu.memory_space<vmem>> -> memref<1x104x64xf32, #tpu.memory_space<vmem>>
      %dma_wait3A_905 = tpu.memref_squeeze %dma_wait3A_904 : memref<1x104x64xf32, #tpu.memory_space<vmem>> -> memref<104x64xf32, #tpu.memory_space<vmem>>
      %dma_wait3A_906 = arith.constant 0 : i32
      %dma_wait3A_907 = tpu.memref_slice %arg5[%dma_wait3A_900, %dma_wait3A_906] : memref<8x104xi32, #tpu.memory_space<vmem>> -> memref<1x104xi32, #tpu.memory_space<vmem>>
      %dma_wait3A_908 = tpu.memref_squeeze %dma_wait3A_907 : memref<1x104xi32, #tpu.memory_space<vmem>> -> memref<104xi32, #tpu.memory_space<vmem>>
      %dma_wait3A_909 = arith.constant 0 : i32
      %dma_wait3A_910 = arith.constant 0 : i32
      %dma_wait3A_911 = tpu.memref_slice %arg3[%dma_wait3A_909, %dma_wait3A_910] : memref<1000000x64xf32, #tpu.memory_space<hbm>> -> memref<1000000x64xf32, #tpu.memory_space<hbm>>
      tpu.wait_indirect_dma semaphore(%arg8 : memref<!tpu.dma_semaphore, #tpu.memory_space<semaphore_mem>>) src(%dma_wait3A_911 : memref<1000000x64xf32, #tpu.memory_space<hbm>>) dst(%dma_wait3A_905 : memref<104x64xf32, #tpu.memory_space<vmem>>)
      %dma_wait3A_912 = arith.constant 6 : i32
      %dma_wait3A_913 = arith.constant 2 : i32
      %dma_wait3A_914 = arith.constant 105 : i32
      %dma_wait3A_915 = arith.constant 0 : i32
      %dma_wait3A_916 = tpu.memref_slice %arg7[%dma_wait3A_913, %dma_wait3A_914, %dma_wait3A_915] : memref<4x202x64xf32, #tpu.memory_space<vmem>> -> memref<1x96x64xf32, #tpu.memory_space<vmem>>
      %dma_wait3A_917 = tpu.memref_squeeze %dma_wait3A_916 : memref<1x96x64xf32, #tpu.memory_space<vmem>> -> memref<96x64xf32, #tpu.memory_space<vmem>>
      %dma_wait3A_918 = arith.constant 0 : i32
      %dma_wait3A_919 = tpu.memref_slice %arg5[%dma_wait3A_912, %dma_wait3A_918] : memref<8x104xi32, #tpu.memory_space<vmem>> -> memref<1x96xi32, #tpu.memory_space<vmem>>
      %dma_wait3A_920 = tpu.memref_squeeze %dma_wait3A_919 : memref<1x96xi32, #tpu.memory_space<vmem>> -> memref<96xi32, #tpu.memory_space<vmem>>
      %dma_wait3A_921 = arith.constant 0 : i32
      %dma_wait3A_922 = arith.constant 0 : i32
      %dma_wait3A_923 = tpu.memref_slice %arg3[%dma_wait3A_921, %dma_wait3A_922] : memref<1000000x64xf32, #tpu.memory_space<hbm>> -> memref<1000000x64xf32, #tpu.memory_space<hbm>>
      tpu.wait_indirect_dma semaphore(%arg8 : memref<!tpu.dma_semaphore, #tpu.memory_space<semaphore_mem>>) src(%dma_wait3A_923 : memref<1000000x64xf32, #tpu.memory_space<hbm>>) dst(%dma_wait3A_917 : memref<96x64xf32, #tpu.memory_space<vmem>>)
      %dma_wait3A_924 = arith.constant 3 : i32
      %dma_wait3A_925 = arith.constant 3 : i32
      %dma_wait3A_926 = arith.constant 1 : i32
      %dma_wait3A_927 = arith.constant 0 : i32
      %dma_wait3A_928 = tpu.memref_slice %arg7[%dma_wait3A_925, %dma_wait3A_926, %dma_wait3A_927] : memref<4x202x64xf32, #tpu.memory_space<vmem>> -> memref<1x104x64xf32, #tpu.memory_space<vmem>>
      %dma_wait3A_929 = tpu.memref_squeeze %dma_wait3A_928 : memref<1x104x64xf32, #tpu.memory_space<vmem>> -> memref<104x64xf32, #tpu.memory_space<vmem>>
      %dma_wait3A_930 = arith.constant 0 : i32
      %dma_wait3A_931 = tpu.memref_slice %arg5[%dma_wait3A_924, %dma_wait3A_930] : memref<8x104xi32, #tpu.memory_space<vmem>> -> memref<1x104xi32, #tpu.memory_space<vmem>>
      %dma_wait3A_932 = tpu.memref_squeeze %dma_wait3A_931 : memref<1x104xi32, #tpu.memory_space<vmem>> -> memref<104xi32, #tpu.memory_space<vmem>>
      %dma_wait3A_933 = arith.constant 0 : i32
      %dma_wait3A_934 = arith.constant 0 : i32
      %dma_wait3A_935 = tpu.memref_slice %arg3[%dma_wait3A_933, %dma_wait3A_934] : memref<1000000x64xf32, #tpu.memory_space<hbm>> -> memref<1000000x64xf32, #tpu.memory_space<hbm>>
      tpu.wait_indirect_dma semaphore(%arg8 : memref<!tpu.dma_semaphore, #tpu.memory_space<semaphore_mem>>) src(%dma_wait3A_935 : memref<1000000x64xf32, #tpu.memory_space<hbm>>) dst(%dma_wait3A_929 : memref<104x64xf32, #tpu.memory_space<vmem>>)
      %dma_wait3A_936 = arith.constant 7 : i32
      %dma_wait3A_937 = arith.constant 3 : i32
      %dma_wait3A_938 = arith.constant 105 : i32
      %dma_wait3A_939 = arith.constant 0 : i32
      %dma_wait3A_940 = tpu.memref_slice %arg7[%dma_wait3A_937, %dma_wait3A_938, %dma_wait3A_939] : memref<4x202x64xf32, #tpu.memory_space<vmem>> -> memref<1x96x64xf32, #tpu.memory_space<vmem>>
      %dma_wait3A_941 = tpu.memref_squeeze %dma_wait3A_940 : memref<1x96x64xf32, #tpu.memory_space<vmem>> -> memref<96x64xf32, #tpu.memory_space<vmem>>
      %dma_wait3A_942 = arith.constant 0 : i32
      %dma_wait3A_943 = tpu.memref_slice %arg5[%dma_wait3A_936, %dma_wait3A_942] : memref<8x104xi32, #tpu.memory_space<vmem>> -> memref<1x96xi32, #tpu.memory_space<vmem>>
      %dma_wait3A_944 = tpu.memref_squeeze %dma_wait3A_943 : memref<1x96xi32, #tpu.memory_space<vmem>> -> memref<96xi32, #tpu.memory_space<vmem>>
      %dma_wait3A_945 = arith.constant 0 : i32
      %dma_wait3A_946 = arith.constant 0 : i32
      %dma_wait3A_947 = tpu.memref_slice %arg3[%dma_wait3A_945, %dma_wait3A_946] : memref<1000000x64xf32, #tpu.memory_space<hbm>> -> memref<1000000x64xf32, #tpu.memory_space<hbm>>
      tpu.wait_indirect_dma semaphore(%arg8 : memref<!tpu.dma_semaphore, #tpu.memory_space<semaphore_mem>>) src(%dma_wait3A_947 : memref<1000000x64xf32, #tpu.memory_space<hbm>>) dst(%dma_wait3A_941 : memref<96x64xf32, #tpu.memory_space<vmem>>)
      %dma_start3A_948 = arith.constant 0 : i32
      %dma_start3A_949 = arith.constant 0 : i32
      %dma_start3A_950 = tpu.memref_slice %arg4[%add3A_755, %dma_start3A_948, %dma_start3A_949] : memref<4096x202x64xf32, #tpu.memory_space<hbm>> -> memref<4x202x64xf32, #tpu.memory_space<hbm>>
      %dma_start3A_951 = arith.constant 0 : i32
      %dma_start3A_952 = arith.constant 0 : i32
      %dma_start3A_953 = tpu.memref_slice %arg4[%add3A_755, %dma_start3A_951, %dma_start3A_952] : memref<4096x202x64xf32, #tpu.memory_space<hbm>> -> memref<4x202x64xf32, #tpu.memory_space<hbm>>
      tpu.enqueue_dma source(%arg7 : memref<4x202x64xf32, #tpu.memory_space<vmem>>) target(%dma_start3A_953 : memref<4x202x64xf32, #tpu.memory_space<hbm>>) target_semaphore(%arg10 : memref<!tpu.dma_semaphore, #tpu.memory_space<semaphore_mem>>)
    }
    %scan3A_517 = arith.constant 16 : i32
    %dma_wait3A = arith.constant 0 : i32
    %dma_wait3A_518 = arith.constant 0 : i32
    %dma_wait3A_519 = arith.constant 0 : i32
    %dma_wait3A_520 = tpu.memref_slice %arg4[%dma_wait3A, %dma_wait3A_518, %dma_wait3A_519] : memref<4096x202x64xf32, #tpu.memory_space<hbm>> -> memref<4x202x64xf32, #tpu.memory_space<hbm>>
    %dma_wait3A_521 = arith.constant 0 : i32
    %dma_wait3A_522 = arith.constant 0 : i32
    %dma_wait3A_523 = arith.constant 0 : i32
    %dma_wait3A_524 = tpu.memref_slice %arg4[%dma_wait3A_521, %dma_wait3A_522, %dma_wait3A_523] : memref<4096x202x64xf32, #tpu.memory_space<hbm>> -> memref<4x202x64xf32, #tpu.memory_space<hbm>>
    tpu.wait_dma2 semaphore(%arg9 : memref<!tpu.dma_semaphore, #tpu.memory_space<semaphore_mem>>) src(%arg6 : memref<4x202x64xf32, #tpu.memory_space<vmem>>) dst(%dma_wait3A_524 : memref<4x202x64xf32, #tpu.memory_space<hbm>>)
    %dma_wait3A_525 = arith.constant 0 : i32
    %dma_wait3A_526 = arith.constant 0 : i32
    %dma_wait3A_527 = arith.constant 0 : i32
    %dma_wait3A_528 = tpu.memref_slice %arg4[%dma_wait3A_525, %dma_wait3A_526, %dma_wait3A_527] : memref<4096x202x64xf32, #tpu.memory_space<hbm>> -> memref<4x202x64xf32, #tpu.memory_space<hbm>>
    %dma_wait3A_529 = arith.constant 0 : i32
    %dma_wait3A_530 = arith.constant 0 : i32
    %dma_wait3A_531 = arith.constant 0 : i32
    %dma_wait3A_532 = tpu.memref_slice %arg4[%dma_wait3A_529, %dma_wait3A_530, %dma_wait3A_531] : memref<4096x202x64xf32, #tpu.memory_space<hbm>> -> memref<4x202x64xf32, #tpu.memory_space<hbm>>
    tpu.wait_dma2 semaphore(%arg10 : memref<!tpu.dma_semaphore, #tpu.memory_space<semaphore_mem>>) src(%arg7 : memref<4x202x64xf32, #tpu.memory_space<vmem>>) dst(%dma_wait3A_532 : memref<4x202x64xf32, #tpu.memory_space<hbm>>)
    return
  }
}

</mosaic_0001>

<sc_bundles>
// kernel: kernel.3.cloned.1.call-start
scs
__scs_entry_jumppad:
0x0: {  	(pc) =	sbr.rel $0x88, $3  }
0x1: {  	(tag) =	ssettag $0x0;
	lr =	simm.s32 $0x1  }
0x2: {  	[smem:$0x3F9F] =	sst lr;
	_ =	strace $0xD0000000  }
0x3: {  	_ = 	snop  }
0x4: {  	_ = 	snop  }
0x5: {  	_ = 	snop  }
0x6: {  	_ = 	snop  }
0x7: {  	_ = 	snop  }
__scs_overlays_trampoline_lowered:
0x8: {  	[smem:$0x3FAE] =	sst s0  }
0x9: {  	[smem:$0x3FAF] =	sst s1  }
0xa: {  	[smem:$0x3FB0] =	sst s2  }
0xb: {  	[smem:$0x3FB1] =	sst s3  }
0xc: {  	[smem:$0x3FB2] =	sst s4  }
0xd: {  	[smem:$0x3FB3] =	sst s5  }
0xe: {  	[smem:$0x3FB4] =	sst s6  }
0xf: {  	[smem:$0x3FB5] =	sst s7  }
0x10: {  	[smem:$0x3FB6] =	sst s8  }
0x11: {  	[smem:$0x3FB7] =	sst s9;
	s0 =	simm.s32 @!p0 $0x0  }
0x12: {  	s1 =	sld [smem:$0x3F9D];
	s0 =	simm.s32 @p0 $0x1  }
0x13: {  	[smem:$0x3FB8] =	sst s0;
	s0 =	simm.s32 @!p1 $0x0  }
0x14: {  	s2 =	sld [smem:$0x3F9C];
	s0 =	simm.s32 @p1 $0x1  }
0x15: {  	[smem:$0x3FB9] =	sst s0;
	s0 =	simm.s32 @!p2 $0x0  }
0x16: {  	s3 =	sld [smem:$0x3FDB];
	s0 =	simm.s32 @p2 $0x1  }
0x17: {  	s4 =	simm.s32 $0x1BF5;
	[smem:$0x3FBB] =	sst s0  }
0x18: {  	s0 =	sld [smem:$0x3F9E];
	_ =	swait.ge [sflag:s4], $0x0  }
0x19: {  	s7 =	sld [smem:$0x3F9F]  }
0x1a: {  	s8 =	sadd.s32 $0xFFFFE003, lr  }
0x1b: {  	s9 =	sadd.s32 $0xFFFFFEF7, lr;
	s5 =	simm.s32 $0xFFFFFFFF;
	p2 =	slt.u32 s8, $0xFFFFF086  }
0x1c: {  	p1 =	slt.u32 s9, $0xF7A;
	s5 =	simm.s32 @!p2 $0x0  }
0x1d: {  	s5 =	simm.s32 @p1 $0x1;
	p0 =	seq.s32 s7, s2  }
0x1e: {  	s7 =	smul.u32 @!p0 $0xF7A, s2;
	p2 =	seq.s32 @!p0 s5, $0x0  }
0x1f: {  	s9 =	smul.u32 $0xF7A, s1;
	s8 =	simm.s32 @!p0 $0x1BF5;
	p2 =	por !p2, p0  }
0x20: {  	[sflag:s8] =	ssyncset.s32 @!p0 $0xFFFFF086;
	s6 =	sadd.s32 @!p0 s3, s7;
	s7 =	simm.s32 @!p0 $0x108  }
0x21: {  	s3 =	sadd.s32 s3, s9;
	s6 =	sadd.s32 @!p0 $0x88, s6;
	s7 =	simm.s32 @p2 $0x1082  }
0x22: {  	[simem:s7], [sflag:s8] =	dma.local @!p0 [hbm:s6], $0xF7A  }
0x23: {  	s9 =	sor.u32 $0xD0000000, s2;
	s6 =	simm.s32 $0x108;
	_ =	swait.ge @!p0 [sflag:s8], $0x0  }
0x24: {  	s3 =	sadd.s32 $0x88, s3;
	s6 =	simm.s32 @!p1 $0x1082;
	[sflag:s4] =	ssyncset.s32 $0xFFFFF086  }
0x25: {  	[simem:s6], [sflag:s4] =	dma.local [hbm:s3], $0xF7A  }
0x26: {  	[smem:$0x3F9F] =	sst s1;
	(tag) =	ssettag s2;
	_ =	strace s9  }
0x27: {  	s1 =	sld [smem:$0x3FAF]  }
0x28: {  	s2 =	sld [smem:$0x3FB0]  }
0x29: {  	s4 =	sld [smem:$0x3FB2]  }
0x2a: {  	p0 =	seq.s32 s5, $0x0;
	s5 =	sld [smem:$0x3FB3]  }
0x2b: {  	s6 =	sld [smem:$0x3FB4]  }
0x2c: {  	s7 =	sld [smem:$0x3FB5]  }
0x2d: {  	s3 =	simm.s32 $0x108;
	s8 =	sld [smem:$0x3FB6]  }
0x2e: {  	s3 =	simm.s32 @!p0 $0x1082;
	s9 =	sld [smem:$0x3FB7]  }
0x2f: {  	lr =	sadd.s32 s0, s3;
	s0 =	sld [smem:$0x3FAE]  }
0x30: {  	s3 =	sld [smem:$0x3FB1]  }
0x31: {  	[smem:$0x3FBA] =	sst s10  }
0x32: {  	s10 =	sld [smem:$0x3FB8];
	_ =	sdelay $0x3  }
0x33: {  	p0 =	seq.s32 s10, $0x1;
	s10 =	sld [smem:$0x3FBA];
	_ =	sdelay $0x3  }
0x34: {  	[smem:$0x3FBA] =	sst s10  }
0x35: {  	s10 =	sld [smem:$0x3FB9];
	_ =	sdelay $0x3  }
0x36: {  	p1 =	seq.s32 s10, $0x1;
	s10 =	sld [smem:$0x3FBA];
	_ =	sdelay $0x3  }
0x37: {  	[smem:$0x3FBA] =	sst s10  }
0x38: {  	s10 =	sld [smem:$0x3FBB]  }
0x39: {  	_ = 	snop;
	(pc) =	sbr.ind lr, $3  }
0x3a: {  	_ = 	snop  }
0x3b: {  	_ = 	snop  }
0x3c: {  	p2 =	seq.s32 s10, $0x1;
	s10 =	sld [smem:$0x3FBA]  }
0x3d: {  	_ =	shalt  }
0x3e: {  	_ =	shalt  }
0x3f: {  	_ =	shalt  }
0x40: {  	_ =	shalt  }
0x41: {  	_ =	shalt  }
0x42: {  	_ =	shalt  }
0x43: {  	_ =	shalt  }
0x44: {  	_ =	shalt  }
0x45: {  	_ =	shalt  }
0x46: {  	_ =	shalt  }
0x47: {  	_ =	shalt  }
0x48: {  	_ =	shalt  }
0x49: {  	_ =	shalt  }
0x4a: {  	_ =	shalt  }
0x4b: {  	_ =	shalt  }
0x4c: {  	_ =	shalt  }
0x4d: {  	_ =	shalt  }
0x4e: {  	_ =	shalt  }
0x4f: {  	_ =	shalt  }
0x50: {  	_ =	shalt  }
0x51: {  	_ =	shalt  }
0x52: {  	_ =	shalt  }
0x53: {  	_ =	shalt  }
0x54: {  	_ =	shalt  }
0x55: {  	_ =	shalt  }
0x56: {  	_ =	shalt  }
0x57: {  	_ =	shalt  }
0x58: {  	_ =	shalt  }
0x59: {  	_ =	shalt  }
0x5a: {  	_ =	shalt  }
0x5b: {  	_ =	shalt  }
0x5c: {  	_ =	shalt  }
0x5d: {  	_ =	shalt  }
0x5e: {  	_ =	shalt  }
0x5f: {  	_ =	shalt  }
0x60: {  	_ =	shalt  }
0x61: {  	_ =	shalt  }
0x62: {  	_ =	shalt  }
0x63: {  	_ =	shalt  }
0x64: {  	_ =	shalt  }
0x65: {  	_ =	shalt  }
0x66: {  	_ =	shalt  }
0x67: {  	_ =	shalt  }
0x68: {  	_ =	shalt  }
0x69: {  	_ =	shalt  }
0x6a: {  	_ =	shalt  }
0x6b: {  	_ =	shalt  }
0x6c: {  	_ =	shalt  }
0x6d: {  	_ =	shalt  }
0x6e: {  	_ =	shalt  }
0x6f: {  	_ =	shalt  }
0x70: {  	_ =	shalt  }
0x71: {  	_ =	shalt  }
0x72: {  	_ =	shalt  }
0x73: {  	_ =	shalt  }
0x74: {  	_ =	shalt  }
0x75: {  	_ =	shalt  }
0x76: {  	_ =	shalt  }
0x77: {  	_ =	shalt  }
0x78: {  	_ =	shalt  }
0x79: {  	_ =	shalt  }
0x7a: {  	_ =	shalt  }
0x7b: {  	_ =	shalt  }
0x7c: {  	_ =	shalt  }
0x7d: {  	_ =	shalt  }
0x7e: {  	_ =	shalt  }
0x7f: {  	_ =	shalt  }
0x80: {  	_ =	shalt  }
0x81: {  	_ =	shalt  }
0x82: {  	_ =	shalt  }
0x83: {  	_ =	shalt  }
0x84: {  	_ =	shalt  }
0x85: {  	_ =	shalt  }
0x86: {  	_ =	shalt  }
0x87: {  	_ =	shalt  }
.Lfunc_end0:
.L_simem_size_0:
called_computation.1_lowered:
.L_overlay_start_0:
0x88: {  	s2 =	sld [smem:$0x3FD9]  }
0x89: {  	s3 =	sld [smem:$0x3FFE];
	_ =	sdelay $0x1  }
0x8a: {  	s1 =	srdreg.scid  }
0x8b: {  	s0 =	sand.u32 $0x1, s1  }
0x8c: {  	s14 =	sshll.u32 s0, $0xA;
	s2 =	sadd.s32 s3, s2  }
0x8d: {  	s2 =	sadd.s32 s2, s14  }
0x8e: {  	[smem:$0x3FC6] =	sst s2  }
0x8f: {  	_ = 	snop  }
0x90: {  	s2 =	sld [smem:$0x3FD0];
	_ =	sdelay $0x2  }
0x91: {  	s15 =	simm.s32 $0xA;
	s4 =	simm.s32 $0x10  }
0x92: {  	[smem:s4], [sflag:s15] =	dma.local [hbm:s2], $0x1  }
0x93: {  	_ =	swait.eq [sflag:s15], $0x1  }
0x94: {  	[sflag:s15] =	ssyncset.done $0x0  }
0x95: {  	[sflag:s15] =	ssyncadd.s32 $0xFFFFFFFF  }
0x96: {  	s16 =	sld [smem:$0x10];
	(tm) =	ssettm $0x1  }
0x97: {  	s17 =	sld [smem:$0x3FFB];
	_ =	sdelay $0x3  }
0x98: {  	_ =	strace s17  }
0x99: {  	s3 =	sld [smem:$0x3FFC];
	_ =	sdelay $0x3  }
0x9a: {  	_ =	strace s3  }
0x9b: {  	s3 =	sld [smem:$0x3FFD];
	_ =	sdelay $0x3  }
0x9c: {  	_ =	strace s3  }
0x9d: {  	_ =	strace $0x8FFFFFFF  }
0x9e: {  	s18 =	sld [smem:$0x3FDB];
	_ =	sdelay $0x1  }
0x9f: {  	s19 =	simm.s32 $_scs_section_size  }
0xa0: {  	s5 =	simm.s32 $_size__tile_overlayer_lowered;
	s6 =	simm.s32 $_tile_overlayer_lowered  }
0xa1: {  	s22 =	simm.s32 $0x1BFF;
	s21 =	sshll.u32 s6, $0x1;
	s3 =	sadd.s32 s19, s18  }
0xa2: {  	s7 =	simm.s32 $0x0;
	s20 =	sshll.u32 s5, $0x1;
	s5 =	sadd.s32 s21, s3  }
0xa3: {  	[timem:s7], [sflag:s22] =	dma.local [hbm:s5], s20  }
0xa4: {  	_ =	swait.ge [sflag:s22], s20  }
0xa5: {  	s4 =	ssub.s32 $0x0, s20;
	[sflag:s22] =	ssyncset.done $0x0  }
0xa6: {  	[sflag:s22] =	ssyncadd.s32 s4;
	_ =	sdelay $0x1  }
0xa7: {  	s23 =	simm.s32 $0x1B8B  }
0xa8: {  	_ =	swait.ge [sflag:s23], $0x1  }
0xa9: {  	[sflag:s23] =	ssyncset.done $0x0  }
0xaa: {  	s25 =	simm.s32 $0x1B8E;
	s24 =	sld [smem:$0x3FFE];
	[sflag:s23] =	ssyncadd.s32 $0xFFFFFFFF  }
0xab: {  	s26 =	simm.s32 $execute0_lowered;
	[smem:$0x3FD2] =	sst s25  }
0xac: {  	s5 =	sshll.u32 s26, $0x1;
	_ =	strace $0x80000046;
	[dreg:$0x1] =	wrdreg $0xFFFFFFFF  }
0xad: {  	s28 =	simm.s32 $_size_execute0_lowered;
	s3 =	sadd.s32 s3, s5;
	[dreg:$0x0] =	wrdreg $0x0  }
0xae: {  	s5 =	sshll.u32 s28, $0x1;
	[dreg:$0x2] =	wrdreg s3  }
0xaf: {  	[dreg:$0x3] =	wrdreg s5  }
0xb0: {  	[dreg:$0x4] =	wrdreg $0xC0  }
0xb1: {  	_ =	task [dreg:s7], $0x5FFFF  }
0xb2: {  	[dreg:$0x1] =	wrdreg $0xFFFFFFFF  }
0xb3: {  	[dreg:$0x0] =	wrdreg $0x60  }
0xb4: {  	[dreg:$0x2] =	wrdreg s24  }
0xb5: {  	[dreg:$0x3] =	wrdreg s16  }
0xb6: {  	[dreg:$0x4] =	wrdreg $0x9  }
0xb7: {  	_ =	task.clear_ibuf [dreg:s7], $0x5FFFF;
	_ =	strace $0x90000046  }
0xb8: {  	s29 =	simm.s32 $0x9;
	_ =	strace $0x80000048  }
0xb9: {  	_ =	swait.ge [sflag:s29], $0x1  }
0xba: {  	[sflag:s29] =	ssyncadd.s32 $0xFFFFFFFF  }
0xbb: {  	_ =	strace $0x90000048  }
0xbc: {  	_ =	sfence  }
0xbd: {  	s30 =	sld [smem:$0x0];
	_ =	sdelay $0x2  }
0xbe: {  	s31 =	sshll.u32 s1, $0xD;
	s1 =	sshrl.u32 s1, $0x2  }
0xbf: {  	s3 =	sand.u32 $0x4000, s31;
	s1 =	sadd.s32 s1, s30  }
0xc0: {  	s0 =	sor.u32 s3, s0;
	s1 =	sshll.u32 s1, $0x11  }
0xc1: {  	s0 =	sor.u32 s1, s0  }
0xc2: {  	s0 =	sadd.s32 $0x8F2B, s0  }
0xc3: {  	[sflag:s0] =	ssyncadd.remote.s32 $0x1  }
0xc4: {  	_ =	sfence.sel $0xFFFF  }
0xc5: {  	[dreg:$0x0] =	wrdreg $0xFFFFFFFF;
	(pc) =	sbr.abs _section_cstart, $3  }
0xc6: {  	[dreg:$0x1] =	wrdreg $0xFFFFFFFF  }
0xc7: {  	_ =	task.clear_ibuf [dreg:s7], $0x2FFFF;
	_ =	strace $0x9FFFFFFF  }
0xc8: {  	(tm) =	ssettm $0x7FFFFFFF  }
0xc9: {  	_ =	shalt  }
tec
execute0_lowered:
.L_overlay_start_1:
0x0: {  	(tag) =	ssettag $0x1  }
0x1: {  	s3 =	rddreg [dreg:$0x0]  }
0x2: {  	s5 =	rddreg [dreg:$0x1]  }
0x3: {  	s0 =	rddreg [dreg:$0x2]  }
0x4: {  	s4 =	srdreg.scid;
	s1 =	stileid.u32;
	s2 =	simm.s32 $0x0  }
0x5: {  	s19 =	simm.s32 $0x380;
	s21 =	simm.s32 $0x1D80;
	[smem:$0x7FF] =	sst s2  }
0x6: {  	s22 =	simm.s32 $0x3600;
	_ =	strace $0x80000047;
	[dreg:$0x7] =	wrdreg s19  }
0x7: {  	s23 =	simm.s32 $0x5000;
	s24 =	simm.s32 $0x6880;
	[dreg:$0x8] =	wrdreg s21  }
0x8: {  	s25 =	simm.s32 $0x8280;
	s26 =	simm.s32 $0x9B00;
	[dreg:$0x9] =	wrdreg s22  }
0x9: {  	s28 =	simm.s32 $0xB500;
	s29 =	simm.s32 $0x340;
	[dreg:$0xa] =	wrdreg s23  }
0xa: {  	s30 =	simm.s32 $0xCD80;
	s13 =	smul.u32 $0xC800, s1;
	[dreg:$0xb] =	wrdreg s24  }
0xb: {  	s31 =	simm.s32 $0xE780;
	s14 =	smul.u32 $0x1900, s1;
	[dreg:$0xc] =	wrdreg s25  }
0xc: {  	s6 =	sand.u32 $0x1, s4;
	s20 =	smul.u32 $0x65000, s1;
	[dreg:$0xd] =	wrdreg s26  }
0xd: {  	s8 =	sadd.s32 $0xA00, s3;
	s7 =	smul.u32 $0x6400, s6;
	[dreg:$0xe] =	wrdreg s28  }
0xe: {  	s3 =	sadd.s32 $0xF42E00, s3;
	s11 =	smul.u32 $0xC80, s6;
	[dreg:$0xf] =	wrdreg s29  }
0xf: {  	s9 =	ssub.s32 $0x2, s6;
	s6 =	smul.u32 $0x32800, s6;
	[dreg:$0x10] =	wrdreg s30  }
0x10: {  	[dreg:$0x11] =	wrdreg s31;
	s19 =	simm.s32 $0xCD40;
	s21 =	simm.s32 $0x3  }
0x11: {  	s22 =	simm.s32 $0x0;
	s12 =	sshrl.u32 s9, $0x1;
	s5 =	sadd.s32 s20, s5  }
0x12: {  	s20 =	simm.s32 $0x2;
	s4 =	sadd.s32 s7, s13;
	s7 =	sadd.s32 s14, s8  }
0x13: {  	s9 =	ssub.s32 s9, s12;
	s5 =	sadd.s32 s6, s5;
	s6 =	simm.s32 $0x68  }
0x14: {  	s13 =	simm.s32 $0x10000;
	s12 =	simm.s32 $0x2D8;
	s14 =	simm.s32 $0x11A00  }
0x15: {  	s10 =	sor.u32 $0x388, s4;
	s7 =	sadd.s32 s11, s7;
	s15 =	sor.u32 $0x68, s4  }
0x16: {  	s4 =	sshrl.u32 s4, $0x3;
	s5 =	sadd.s32 $0x1940, s5;
	[dreg:$0x12] =	wrdreg s13  }
0x17: {  	s11 =	simm.s32 $0x270;
	s13 =	simm.s32 $0x60;
	[dreg:$0x13] =	wrdreg s14  }
0x18: {  	s14 =	simm.s32 $0xD0;
	s10 =	sshrl.u32 s10, $0x3;
	s7 =	sadd.s32 $0x64, s7  }
0x19: {  	s16 =	sshrl.u32 s15, $0x3;
	s18 =	sadd.s32 s4, s8;
	s4 =	smax.u32 s9, $0x1  }
0x1a: {  	s9 =	simm.s32 $0x1A0;
	s15 =	simm.s32 $0x13280;
	[dreg:$0x4] =	wrdreg s7  }
0x1b: {  	s10 =	sadd.s32 s10, s8;
	s17 =	sadd.s32 s16, s8;
	[dreg:$0x6] =	wrdreg s18  }
0x1c: {  	s7 =	simm.s32 $0xC8;
	s8 =	simm.s32 $0x4;
	[dreg:$0x14] =	wrdreg s15  }
0x1d: {  	s15 =	simm.s32 $0x138;
	s16 =	simm.s32 $0x1;
	[dreg:$0x3] =	wrdreg s10  }
0x1e: {  	s18 =	simm.s32 $0x17F00;
	[dreg:$0x5] =	wrdreg s17;
	s17 =	simm.s32 $0x14C80  }
0x1f: {  	v0 =	vimm.f32 $0.0e+00;
	s10 =	simm.s32 $0x208;
	[dreg:$0x15] =	wrdreg s17;
	s17 =	simm.s32 $0x16500  }
.LBB2_1:
0x20: {  	[tilespmem:$0x340] =	vst v0  }
0x21: {  	[tilespmem:$0x350] =	vst v0  }
0x22: {  	[tilespmem:$0x360] =	vst v0  }
0x23: {  	[tilespmem:$0x370] =	vst v0  }
0x24: {  	[tilespmem:$0x3580] =	vst v0  }
0x25: {  	[tilespmem:$0x3590] =	vst v0  }
0x26: {  	[tilespmem:$0x35A0] =	vst v0  }
0x27: {  	[tilespmem:$0x35B0] =	vst v0  }
0x28: {  	[tilespmem:$0x35C0] =	vst v0  }
0x29: {  	[tilespmem:$0x35D0] =	vst v0  }
0x2a: {  	[tilespmem:$0x35E0] =	vst v0  }
0x2b: {  	[tilespmem:$0x35F0] =	vst v0  }
0x2c: {  	[tilespmem:$0x6800] =	vst v0  }
0x2d: {  	[tilespmem:$0x6810] =	vst v0  }
0x2e: {  	[tilespmem:$0x6820] =	vst v0  }
0x2f: {  	[tilespmem:$0x6830] =	vst v0  }
0x30: {  	[tilespmem:$0x6840] =	vst v0  }
0x31: {  	[tilespmem:$0x6850] =	vst v0  }
0x32: {  	[tilespmem:$0x6860] =	vst v0  }
0x33: {  	[tilespmem:$0x6870] =	vst v0  }
0x34: {  	[tilespmem:$0x9A80] =	vst v0  }
0x35: {  	[tilespmem:$0x9A90] =	vst v0  }
0x36: {  	[tilespmem:$0x9AA0] =	vst v0  }
0x37: {  	[tilespmem:$0x9AB0] =	vst v0  }
0x38: {  	[tilespmem:$0x9AC0] =	vst v0  }
0x39: {  	[tilespmem:$0x9AD0] =	vst v0  }
0x3a: {  	[tilespmem:$0x9AE0] =	vst v0  }
0x3b: {  	[tilespmem:$0x9AF0] =	vst v0  }
0x3c: {  	[tilespmem:$0xCD00] =	vst v0  }
0x3d: {  	[tilespmem:$0xCD10] =	vst v0  }
0x3e: {  	[tilespmem:$0xCD20] =	vst v0  }
0x3f: {  	[tilespmem:$0xCD30] =	vst v0  }
0x40: {  	[tilespmem:$0xCD40] =	vst v0  }
0x41: {  	[tilespmem:$0xCD50] =	vst v0  }
0x42: {  	[tilespmem:$0xCD60] =	vst v0  }
0x43: {  	[tilespmem:$0xCD70] =	vst v0  }
0x44: {  	[tilespmem:$0xFF80] =	vst v0  }
0x45: {  	[tilespmem:$0xFF90] =	vst v0  }
0x46: {  	[tilespmem:$0xFFA0] =	vst v0  }
0x47: {  	[tilespmem:$0xFFB0] =	vst v0  }
0x48: {  	[tilespmem:$0xFFC0] =	vst v0  }
0x49: {  	[tilespmem:$0xFFD0] =	vst v0  }
0x4a: {  	[tilespmem:$0xFFE0] =	vst v0  }
0x4b: {  	[tilespmem:$0xFFF0] =	vst v0  }
0x4c: {  	[tilespmem:$0x13200] =	vst v0  }
0x4d: {  	[tilespmem:$0x13210] =	vst v0  }
0x4e: {  	[tilespmem:$0x13220] =	vst v0  }
0x4f: {  	[tilespmem:$0x13230] =	vst v0  }
0x50: {  	[tilespmem:$0x13240] =	vst v0  }
0x51: {  	[tilespmem:$0x13250] =	vst v0  }
0x52: {  	[tilespmem:$0x13260] =	vst v0  }
0x53: {  	[tilespmem:$0x13270] =	vst v0  }
0x54: {  	[tilespmem:$0x16480] =	vst v0  }
0x55: {  	[tilespmem:$0x16490] =	vst v0  }
0x56: {  	[tilespmem:$0x164A0] =	vst v0  }
0x57: {  	[tilespmem:$0x164B0] =	vst v0  }
0x58: {  	[tilespmem:$0x164C0] =	vst v0  }
0x59: {  	[tilespmem:$0x164D0] =	vst v0  }
0x5a: {  	[tilespmem:$0x164E0] =	vst v0  }
0x5b: {  	[tilespmem:$0x164F0] =	vst v0  }
0x5c: {  	[tilespmem:$0x19700] =	vst v0  }
0x5d: {  	[tilespmem:$0x19710] =	vst v0  }
0x5e: {  	[tilespmem:$0x19720] =	vst v0;
	p0 =	por $0x1, $0x1  }
0x5f: {  	[tilespmem:$0x19730] =	vst v0;
	s23 =	simm.s32 @!p0 $0x2  }
0x60: {  	_ =	swait.ge @!p0 [sflag:s23], $0xCA00  }
0x61: {  	s24 =	rddreg [dreg:$0x6];
	[sflag:s23] =	ssyncset.done @!p0 $0x0  }
0x62: {  	[sflag:s23] =	ssyncadd.s32 @!p0 $0xFFFF3600;
	s25 =	sadd.s32 $0x0, s24  }
0x63: {  	[tilespmem:s2], [sflag:$0x4] =	stream.strided.gather [hbm4b:s25+s6], $0x1A0, s7, s6, $0x38;
	[tilespmem:$0x19740] =	vst v63  }
0x64: {  	_ =	swait.ge [sflag:s8], $0x1A0  }
0x65: {  	s26 =	rddreg [dreg:$0x5];
	[sflag:s8] =	ssyncset.done $0x0  }
0x66: {  	[sflag:s8] =	ssyncadd.s32 $0xFFFFFE60;
	s23 =	sadd.s32 $0x0, s26  }
0x67: {  	[tilespmem:s9], [sflag:$0x4] =	stream.linear.gather [hbm4b:s23+s2], $0x60, $0x38;
	[tilespmem:$0x19740] =	vst v63  }
0x68: {  	s28 =	sadd.s32 $0x19, s23  }
0x69: {  	[tilespmem:s10], [sflag:$0x4] =	stream.linear.gather [hbm4b:s28+s2], $0x60, $0x38;
	[tilespmem:$0x19740] =	vst v63  }
0x6a: {  	s29 =	sadd.s32 $0x32, s23  }
0x6b: {  	[tilespmem:s11], [sflag:$0x4] =	stream.linear.gather [hbm4b:s29+s2], $0x60, $0x38;
	[tilespmem:$0x19740] =	vst v63  }
0x6c: {  	s23 =	sadd.s32 $0x4B, s23  }
0x6d: {  	[tilespmem:s12], [sflag:$0x4] =	stream.linear.gather [hbm4b:s23+s2], $0x60, $0x38;
	[tilespmem:$0x19740] =	vst v63  }
0x6e: {  	_ =	swait.ge [sflag:s8], $0x180  }
0x6f: {  	[sflag:s8] =	ssyncset.done $0x0  }
0x70: {  	s30 =	rddreg [dreg:$0x7];
	[sflag:s8] =	ssyncadd.s32 $0xFFFFFE80  }
0x71: {  	[tilespmem:s30], [sflag:$0x1] =	stream.indirect.gather [hbm4b:s3+s6], $0x40, s2, s6, $0xb8;
	[tilespmem:$0x19740] =	vst v63  }
0x72: {  	s31 =	rddreg [dreg:$0x8]  }
0x73: {  	[tilespmem:s31], [sflag:$0x1] =	stream.indirect.gather [hbm4b:s3+s13], $0x40, s9, s13, $0xb8;
	[tilespmem:$0x19740] =	vst v63  }
0x74: {  	s25 =	rddreg [dreg:$0x9]  }
0x75: {  	[tilespmem:s25], [sflag:$0x1] =	stream.indirect.gather [hbm4b:s3+s6], $0x40, s6, s6, $0xb8;
	[tilespmem:$0x19740] =	vst v63  }
0x76: {  	s26 =	rddreg [dreg:$0xa]  }
0x77: {  	[tilespmem:s26], [sflag:$0x1] =	stream.indirect.gather [hbm4b:s3+s13], $0x40, s10, s13, $0xb8;
	[tilespmem:$0x19740] =	vst v63  }
0x78: {  	s28 =	rddreg [dreg:$0xb]  }
0x79: {  	[tilespmem:s28], [sflag:$0x1] =	stream.indirect.gather [hbm4b:s3+s6], $0x40, s14, s6, $0xb8;
	[tilespmem:$0x19740] =	vst v63  }
0x7a: {  	s29 =	rddreg [dreg:$0xc]  }
0x7b: {  	[tilespmem:s29], [sflag:$0x1] =	stream.indirect.gather [hbm4b:s3+s13], $0x40, s11, s13, $0xb8;
	[tilespmem:$0x19740] =	vst v63  }
0x7c: {  	s30 =	rddreg [dreg:$0xd]  }
0x7d: {  	[tilespmem:s30], [sflag:$0x1] =	stream.indirect.gather [hbm4b:s3+s6], $0x40, s15, s6, $0xb8;
	[tilespmem:$0x19740] =	vst v63  }
0x7e: {  	s31 =	rddreg [dreg:$0xe]  }
0x7f: {  	[tilespmem:s31], [sflag:$0x1] =	stream.indirect.gather [hbm4b:s3+s13], $0x40, s12, s13, $0xb8;
	[tilespmem:$0x19740] =	vst v63  }
0x80: {  	_ =	swait.ge [sflag:s16], $0x1A00  }
0x81: {  	[sflag:s16] =	ssyncset.done $0x0  }
0x82: {  	[sflag:s16] =	ssyncadd.s32 $0xFFFFE600  }
0x83: {  	_ =	swait.ge [sflag:s16], $0x1800  }
0x84: {  	[sflag:s16] =	ssyncset.done $0x0  }
0x85: {  	[sflag:s16] =	ssyncadd.s32 $0xFFFFE800  }
0x86: {  	_ =	swait.ge [sflag:s16], $0x1A00  }
0x87: {  	[sflag:s16] =	ssyncset.done $0x0  }
0x88: {  	[sflag:s16] =	ssyncadd.s32 $0xFFFFE600  }
0x89: {  	_ =	swait.ge [sflag:s16], $0x1800  }
0x8a: {  	[sflag:s16] =	ssyncset.done $0x0  }
0x8b: {  	[sflag:s16] =	ssyncadd.s32 $0xFFFFE800  }
0x8c: {  	_ =	swait.ge [sflag:s16], $0x1A00  }
0x8d: {  	[sflag:s16] =	ssyncset.done $0x0  }
0x8e: {  	[sflag:s16] =	ssyncadd.s32 $0xFFFFE600  }
0x8f: {  	_ =	swait.ge [sflag:s16], $0x1800  }
0x90: {  	[sflag:s16] =	ssyncset.done $0x0  }
0x91: {  	[sflag:s16] =	ssyncadd.s32 $0xFFFFE800  }
0x92: {  	_ =	swait.ge [sflag:s16], $0x1A00  }
0x93: {  	[sflag:s16] =	ssyncset.done $0x0  }
0x94: {  	[sflag:s16] =	ssyncadd.s32 $0xFFFFE600  }
0x95: {  	_ =	swait.ge [sflag:s16], $0x1800  }
0x96: {  	s25 =	simm.s32 @!p0 $0x3;
	[sflag:s16] =	ssyncset.done $0x0  }
0x97: {  	s26 =	sadd.s32 $0xFFFFE6C0, s5;
	s24 =	rddreg [dreg:$0xf];
	[sflag:s16] =	ssyncadd.s32 $0xFFFFE800  }
0x98: {  	[hbm4b:s26+s2] =	stream.linear.scatter [tilespmem:s24], [sflag:$0x2], $0xCA00, $0x38;
	[tilespmem:$0x19740] =	vst v63  }
0x99: {  	_ =	swait.ge @!p0 [sflag:s25], $0xCA00  }
0x9a: {  	s28 =	rddreg [dreg:$0x4];
	[sflag:s25] =	ssyncset.done @!p0 $0x0  }
0x9b: {  	[sflag:s25] =	ssyncadd.s32 @!p0 $0xFFFF3600;
	s23 =	sadd.s32 $0x0, s28  }
0x9c: {  	[tilespmem:s2], [sflag:$0x4] =	stream.strided.gather [hbm4b:s23+s6], $0x1A0, s7, s6, $0x38;
	[tilespmem:$0x19740] =	vst v63  }
0x9d: {  	_ =	swait.ge [sflag:s8], $0x1A0  }
0x9e: {  	s29 =	rddreg [dreg:$0x3];
	[sflag:s8] =	ssyncset.done $0x0  }
0x9f: {  	[sflag:s8] =	ssyncadd.s32 $0xFFFFFE60;
	s23 =	sadd.s32 $0x0, s29  }
0xa0: {  	[tilespmem:s9], [sflag:$0x4] =	stream.linear.gather [hbm4b:s23+s2], $0x60, $0x38;
	[tilespmem:$0x19740] =	vst v63  }
0xa1: {  	s30 =	sadd.s32 $0x19, s23  }
0xa2: {  	[tilespmem:s10], [sflag:$0x4] =	stream.linear.gather [hbm4b:s30+s2], $0x60, $0x38;
	[tilespmem:$0x19740] =	vst v63  }
0xa3: {  	s31 =	sadd.s32 $0x32, s23  }
0xa4: {  	[tilespmem:s11], [sflag:$0x4] =	stream.linear.gather [hbm4b:s31+s2], $0x60, $0x38;
	[tilespmem:$0x19740] =	vst v63  }
0xa5: {  	s23 =	sadd.s32 $0x4B, s23  }
0xa6: {  	[tilespmem:s12], [sflag:$0x4] =	stream.linear.gather [hbm4b:s23+s2], $0x60, $0x38;
	[tilespmem:$0x19740] =	vst v63  }
0xa7: {  	_ =	swait.ge [sflag:s8], $0x180  }
0xa8: {  	[sflag:s8] =	ssyncset.done $0x0  }
0xa9: {  	s25 =	rddreg [dreg:$0x10];
	[sflag:s8] =	ssyncadd.s32 $0xFFFFFE80  }
0xaa: {  	[tilespmem:s25], [sflag:$0x1] =	stream.indirect.gather [hbm4b:s3+s6], $0x40, s2, s6, $0xb8;
	[tilespmem:$0x19740] =	vst v63  }
0xab: {  	s26 =	rddreg [dreg:$0x11]  }
0xac: {  	[tilespmem:s26], [sflag:$0x1] =	stream.indirect.gather [hbm4b:s3+s13], $0x40, s9, s13, $0xb8;
	[tilespmem:$0x19740] =	vst v63  }
0xad: {  	s28 =	rddreg [dreg:$0x12]  }
0xae: {  	[tilespmem:s28], [sflag:$0x1] =	stream.indirect.gather [hbm4b:s3+s6], $0x40, s6, s6, $0xb8;
	[tilespmem:$0x19740] =	vst v63  }
0xaf: {  	s29 =	rddreg [dreg:$0x13]  }
0xb0: {  	[tilespmem:s29], [sflag:$0x1] =	stream.indirect.gather [hbm4b:s3+s13], $0x40, s10, s13, $0xb8;
	[tilespmem:$0x19740] =	vst v63  }
0xb1: {  	s30 =	rddreg [dreg:$0x14]  }
0xb2: {  	[tilespmem:s30], [sflag:$0x1] =	stream.indirect.gather [hbm4b:s3+s6], $0x40, s14, s6, $0xb8;
	[tilespmem:$0x19740] =	vst v63  }
0xb3: {  	s31 =	rddreg [dreg:$0x15]  }
0xb4: {  	[tilespmem:s31], [sflag:$0x1] =	stream.indirect.gather [hbm4b:s3+s13], $0x40, s11, s13, $0xb8;
	[tilespmem:$0x19740] =	vst v63  }
0xb5: {  	_ = 	snop  }
0xb6: {  	[tilespmem:s17], [sflag:$0x1] =	stream.indirect.gather [hbm4b:s3+s6], $0x40, s15, s6, $0xb8;
	[tilespmem:$0x19740] =	vst v63  }
0xb7: {  	_ = 	snop  }
0xb8: {  	[tilespmem:s18], [sflag:$0x1] =	stream.indirect.gather [hbm4b:s3+s13], $0x40, s12, s13, $0xb8;
	[tilespmem:$0x19740] =	vst v63  }
0xb9: {  	_ =	swait.ge [sflag:s16], $0x1A00  }
0xba: {  	[sflag:s16] =	ssyncset.done $0x0  }
0xbb: {  	[sflag:s16] =	ssyncadd.s32 $0xFFFFE600  }
0xbc: {  	_ =	swait.ge [sflag:s16], $0x1800  }
0xbd: {  	[sflag:s16] =	ssyncset.done $0x0  }
0xbe: {  	[sflag:s16] =	ssyncadd.s32 $0xFFFFE800  }
0xbf: {  	_ =	swait.ge [sflag:s16], $0x1A00  }
0xc0: {  	[sflag:s16] =	ssyncset.done $0x0  }
0xc1: {  	[sflag:s16] =	ssyncadd.s32 $0xFFFFE600  }
0xc2: {  	_ =	swait.ge [sflag:s16], $0x1800  }
0xc3: {  	[sflag:s16] =	ssyncset.done $0x0  }
0xc4: {  	[sflag:s16] =	ssyncadd.s32 $0xFFFFE800  }
0xc5: {  	_ =	swait.ge [sflag:s16], $0x1A00  }
0xc6: {  	[sflag:s16] =	ssyncset.done $0x0  }
0xc7: {  	[sflag:s16] =	ssyncadd.s32 $0xFFFFE600  }
0xc8: {  	_ =	swait.ge [sflag:s16], $0x1800  }
0xc9: {  	[sflag:s16] =	ssyncset.done $0x0  }
0xca: {  	[sflag:s16] =	ssyncadd.s32 $0xFFFFE800  }
0xcb: {  	_ =	swait.ge [sflag:s16], $0x1A00  }
0xcc: {  	[sflag:s16] =	ssyncset.done $0x0  }
0xcd: {  	p1 =	por $0x0, $0x0;
	[sflag:s16] =	ssyncadd.s32 $0xFFFFE600  }
0xce: {  	s24 =	simm.s32 $0xC8;
	s23 =	sadd.s32 $0x3280, s5;
	_ =	swait.ge [sflag:s16], $0x1800  }
0xcf: {  	s25 =	simm.s32 $0x190;
	s26 =	smov.u32 s5;
	[sflag:s16] =	ssyncset.done $0x0  }
.LBB2_2:
0xd0: {  	s29 =	simm.s32 @!p1 $0x2;
	[sflag:s16] =	ssyncadd.s32 $0xFFFFE800  }
0xd1: {  	[hbm4b:s26+s2] =	stream.linear.scatter [tilespmem:s19], [sflag:$0x3], $0xCA00, $0x38;
	[tilespmem:$0x19740] =	vst v63  }
0xd2: {  	_ =	swait.ge @!p1 [sflag:s29], $0xCA00  }
0xd3: {  	[sflag:s29] =	ssyncset.done @!p1 $0x0;
	s30 =	rddreg [dreg:$0x6]  }
0xd4: {  	[sflag:s29] =	ssyncadd.s32 @!p1 $0xFFFF3600;
	s31 =	sadd.s32 s24, s30  }
0xd5: {  	[tilespmem:s2], [sflag:$0x4] =	stream.strided.gather [hbm4b:s31+s6], $0x1A0, s7, s6, $0x38;
	[tilespmem:$0x19740] =	vst v63  }
0xd6: {  	_ =	swait.ge [sflag:s8], $0x1A0  }
0xd7: {  	s30 =	rddreg [dreg:$0x5];
	[sflag:s8] =	ssyncset.done $0x0  }
0xd8: {  	[sflag:s8] =	ssyncadd.s32 $0xFFFFFE60;
	s29 =	sadd.s32 s24, s30  }
0xd9: {  	[tilespmem:s9], [sflag:$0x4] =	stream.linear.gather [hbm4b:s29+s2], $0x60, $0x38;
	[tilespmem:$0x19740] =	vst v63  }
0xda: {  	s31 =	sadd.s32 $0x19, s29  }
0xdb: {  	[tilespmem:s10], [sflag:$0x4] =	stream.linear.gather [hbm4b:s31+s2], $0x60, $0x38;
	[tilespmem:$0x19740] =	vst v63  }
0xdc: {  	s31 =	sadd.s32 $0x32, s29  }
0xdd: {  	[tilespmem:s11], [sflag:$0x4] =	stream.linear.gather [hbm4b:s31+s2], $0x60, $0x38;
	[tilespmem:$0x19740] =	vst v63  }
0xde: {  	s29 =	sadd.s32 $0x4B, s29  }
0xdf: {  	[tilespmem:s12], [sflag:$0x4] =	stream.linear.gather [hbm4b:s29+s2], $0x60, $0x38;
	[tilespmem:$0x19740] =	vst v63  }
0xe0: {  	_ =	swait.ge [sflag:s8], $0x180  }
0xe1: {  	[sflag:s8] =	ssyncset.done $0x0  }
0xe2: {  	s29 =	rddreg [dreg:$0x7];
	[sflag:s8] =	ssyncadd.s32 $0xFFFFFE80  }
0xe3: {  	[tilespmem:s29], [sflag:$0x1] =	stream.indirect.gather [hbm4b:s3+s6], $0x40, s2, s6, $0xb8;
	[tilespmem:$0x19740] =	vst v63  }
0xe4: {  	s31 =	rddreg [dreg:$0x8]  }
0xe5: {  	[tilespmem:s31], [sflag:$0x1] =	stream.indirect.gather [hbm4b:s3+s13], $0x40, s9, s13, $0xb8;
	[tilespmem:$0x19740] =	vst v63  }
0xe6: {  	s29 =	rddreg [dreg:$0x9]  }
0xe7: {  	[tilespmem:s29], [sflag:$0x1] =	stream.indirect.gather [hbm4b:s3+s6], $0x40, s6, s6, $0xb8;
	[tilespmem:$0x19740] =	vst v63  }
0xe8: {  	s31 =	rddreg [dreg:$0xa]  }
0xe9: {  	[tilespmem:s31], [sflag:$0x1] =	stream.indirect.gather [hbm4b:s3+s13], $0x40, s10, s13, $0xb8;
	[tilespmem:$0x19740] =	vst v63  }
0xea: {  	s29 =	rddreg [dreg:$0xb]  }
0xeb: {  	[tilespmem:s29], [sflag:$0x1] =	stream.indirect.gather [hbm4b:s3+s6], $0x40, s14, s6, $0xb8;
	[tilespmem:$0x19740] =	vst v63  }
0xec: {  	s31 =	rddreg [dreg:$0xc]  }
0xed: {  	[tilespmem:s31], [sflag:$0x1] =	stream.indirect.gather [hbm4b:s3+s13], $0x40, s11, s13, $0xb8;
	[tilespmem:$0x19740] =	vst v63  }
0xee: {  	s29 =	rddreg [dreg:$0xd]  }
0xef: {  	[tilespmem:s29], [sflag:$0x1] =	stream.indirect.gather [hbm4b:s3+s6], $0x40, s15, s6, $0xb8;
	[tilespmem:$0x19740] =	vst v63  }
0xf0: {  	s31 =	rddreg [dreg:$0xe]  }
0xf1: {  	[tilespmem:s31], [sflag:$0x1] =	stream.indirect.gather [hbm4b:s3+s13], $0x40, s12, s13, $0xb8;
	[tilespmem:$0x19740] =	vst v63  }
0xf2: {  	_ =	swait.ge [sflag:s16], $0x1A00  }
0xf3: {  	[sflag:s16] =	ssyncset.done $0x0  }
0xf4: {  	[sflag:s16] =	ssyncadd.s32 $0xFFFFE600  }
0xf5: {  	_ =	swait.ge [sflag:s16], $0x1800  }
0xf6: {  	[sflag:s16] =	ssyncset.done $0x0  }
0xf7: {  	[sflag:s16] =	ssyncadd.s32 $0xFFFFE800  }
0xf8: {  	_ =	swait.ge [sflag:s16], $0x1A00  }
0xf9: {  	[sflag:s16] =	ssyncset.done $0x0  }
0xfa: {  	[sflag:s16] =	ssyncadd.s32 $0xFFFFE600  }
0xfb: {  	_ =	swait.ge [sflag:s16], $0x1800  }
0xfc: {  	[sflag:s16] =	ssyncset.done $0x0  }
0xfd: {  	[sflag:s16] =	ssyncadd.s32 $0xFFFFE800  }
0xfe: {  	_ =	swait.ge [sflag:s16], $0x1A00  }
0xff: {  	[sflag:s16] =	ssyncset.done $0x0  }
0x100: {  	[sflag:s16] =	ssyncadd.s32 $0xFFFFE600  }
0x101: {  	_ =	swait.ge [sflag:s16], $0x1800  }
0x102: {  	[sflag:s16] =	ssyncset.done $0x0  }
0x103: {  	[sflag:s16] =	ssyncadd.s32 $0xFFFFE800  }
0x104: {  	_ =	swait.ge [sflag:s16], $0x1A00  }
0x105: {  	[sflag:s16] =	ssyncset.done $0x0  }
0x106: {  	[sflag:s16] =	ssyncadd.s32 $0xFFFFE600  }
0x107: {  	_ =	swait.ge [sflag:s16], $0x1800  }
0x108: {  	s30 =	sadd.s32 $0xFFFFE6C0, s23;
	[sflag:s16] =	ssyncset.done $0x0  }
0x109: {  	s31 =	simm.s32 @!p1 $0x3;
	s29 =	rddreg [dreg:$0xf];
	[sflag:s16] =	ssyncadd.s32 $0xFFFFE800  }
0x10a: {  	[hbm4b:s30+s2] =	stream.linear.scatter [tilespmem:s29], [sflag:$0x2], $0xCA00, $0x38;
	[tilespmem:$0x19740] =	vst v63  }
0x10b: {  	_ =	swait.ge @!p1 [sflag:s31], $0xCA00  }
0x10c: {  	[sflag:s31] =	ssyncset.done @!p1 $0x0;
	s30 =	rddreg [dreg:$0x4]  }
0x10d: {  	[sflag:s31] =	ssyncadd.s32 @!p1 $0xFFFF3600;
	s29 =	sadd.s32 s24, s30  }
0x10e: {  	[tilespmem:s2], [sflag:$0x4] =	stream.strided.gather [hbm4b:s29+s6], $0x1A0, s7, s6, $0x38;
	[tilespmem:$0x19740] =	vst v63  }
0x10f: {  	_ =	swait.ge [sflag:s8], $0x1A0  }
0x110: {  	s31 =	rddreg [dreg:$0x3];
	[sflag:s8] =	ssyncset.done $0x0  }
0x111: {  	[sflag:s8] =	ssyncadd.s32 $0xFFFFFE60;
	s29 =	sadd.s32 s24, s31  }
0x112: {  	[tilespmem:s9], [sflag:$0x4] =	stream.linear.gather [hbm4b:s29+s2], $0x60, $0x38;
	[tilespmem:$0x19740] =	vst v63  }
0x113: {  	s30 =	sadd.s32 $0x19, s29  }
0x114: {  	[tilespmem:s10], [sflag:$0x4] =	stream.linear.gather [hbm4b:s30+s2], $0x60, $0x38;
	[tilespmem:$0x19740] =	vst v63  }
0x115: {  	s31 =	sadd.s32 $0x32, s29  }
0x116: {  	[tilespmem:s11], [sflag:$0x4] =	stream.linear.gather [hbm4b:s31+s2], $0x60, $0x38;
	[tilespmem:$0x19740] =	vst v63  }
0x117: {  	s29 =	sadd.s32 $0x4B, s29  }
0x118: {  	[tilespmem:s12], [sflag:$0x4] =	stream.linear.gather [hbm4b:s29+s2], $0x60, $0x38;
	[tilespmem:$0x19740] =	vst v63  }
0x119: {  	_ =	swait.ge [sflag:s8], $0x180  }
0x11a: {  	[sflag:s8] =	ssyncset.done $0x0  }
0x11b: {  	s30 =	rddreg [dreg:$0x10];
	[sflag:s8] =	ssyncadd.s32 $0xFFFFFE80  }
0x11c: {  	[tilespmem:s30], [sflag:$0x1] =	stream.indirect.gather [hbm4b:s3+s6], $0x40, s2, s6, $0xb8;
	[tilespmem:$0x19740] =	vst v63  }
0x11d: {  	s31 =	rddreg [dreg:$0x11]  }
0x11e: {  	[tilespmem:s31], [sflag:$0x1] =	stream.indirect.gather [hbm4b:s3+s13], $0x40, s9, s13, $0xb8;
	[tilespmem:$0x19740] =	vst v63  }
0x11f: {  	s30 =	rddreg [dreg:$0x12]  }
0x120: {  	[tilespmem:s30], [sflag:$0x1] =	stream.indirect.gather [hbm4b:s3+s6], $0x40, s6, s6, $0xb8;
	[tilespmem:$0x19740] =	vst v63  }
0x121: {  	s31 =	rddreg [dreg:$0x13]  }
0x122: {  	[tilespmem:s31], [sflag:$0x1] =	stream.indirect.gather [hbm4b:s3+s13], $0x40, s10, s13, $0xb8;
	[tilespmem:$0x19740] =	vst v63  }
0x123: {  	s30 =	rddreg [dreg:$0x14]  }
0x124: {  	[tilespmem:s30], [sflag:$0x1] =	stream.indirect.gather [hbm4b:s3+s6], $0x40, s14, s6, $0xb8;
	[tilespmem:$0x19740] =	vst v63  }
0x125: {  	s31 =	rddreg [dreg:$0x15]  }
0x126: {  	[tilespmem:s31], [sflag:$0x1] =	stream.indirect.gather [hbm4b:s3+s13], $0x40, s11, s13, $0xb8;
	[tilespmem:$0x19740] =	vst v63  }
0x127: {  	_ = 	snop  }
0x128: {  	[tilespmem:s17], [sflag:$0x1] =	stream.indirect.gather [hbm4b:s3+s6], $0x40, s15, s6, $0xb8;
	[tilespmem:$0x19740] =	vst v63  }
0x129: {  	_ = 	snop  }
0x12a: {  	[tilespmem:s18], [sflag:$0x1] =	stream.indirect.gather [hbm4b:s3+s13], $0x40, s12, s13, $0xb8;
	[tilespmem:$0x19740] =	vst v63  }
0x12b: {  	_ =	swait.ge [sflag:s16], $0x1A00  }
0x12c: {  	[sflag:s16] =	ssyncset.done $0x0  }
0x12d: {  	[sflag:s16] =	ssyncadd.s32 $0xFFFFE600  }
0x12e: {  	_ =	swait.ge [sflag:s16], $0x1800  }
0x12f: {  	[sflag:s16] =	ssyncset.done $0x0  }
0x130: {  	[sflag:s16] =	ssyncadd.s32 $0xFFFFE800  }
0x131: {  	_ =	swait.ge [sflag:s16], $0x1A00  }
0x132: {  	[sflag:s16] =	ssyncset.done $0x0  }
0x133: {  	[sflag:s16] =	ssyncadd.s32 $0xFFFFE600  }
0x134: {  	_ =	swait.ge [sflag:s16], $0x1800  }
0x135: {  	[sflag:s16] =	ssyncset.done $0x0  }
0x136: {  	[sflag:s16] =	ssyncadd.s32 $0xFFFFE800  }
0x137: {  	_ =	swait.ge [sflag:s16], $0x1A00  }
0x138: {  	[sflag:s16] =	ssyncset.done $0x0  }
0x139: {  	[sflag:s16] =	ssyncadd.s32 $0xFFFFE600  }
0x13a: {  	_ =	swait.ge [sflag:s16], $0x1800  }
0x13b: {  	s28 =	smov.u32 s25;
	s25 =	sadd.s32 $0xC8, s25;
	[sflag:s16] =	ssyncset.done $0x0  }
0x13c: {  	p0 =	sne.s32 s25, $0xC80;
	[sflag:s16] =	ssyncadd.s32 $0xFFFFE800  }
.Ltmp0:
0x13d: {  	_ =	swait.ge [sflag:s16], $0x1A00;
	(pc) =	sbr.rel @p0 .LBB2_2-.Ltmp0, $4  }
0x13e: {  	[sflag:s16] =	ssyncset.done $0x0  }
0x13f: {  	[sflag:s16] =	ssyncadd.s32 $0xFFFFE600  }
0x140: {  	s26 =	smov.u32 s23;
	s24 =	smov.u32 s28;
	_ =	swait.ge [sflag:s16], $0x1800  }
0x141: {  	s23 =	sadd.s32 $0x3280, s23;
	p1 =	seq.s32 s24, $0x0;
	[sflag:s16] =	ssyncset.done $0x0  }
0x142: {  	s25 =	simm.s32 @!p1 $0x2;
	[sflag:s16] =	ssyncadd.s32 $0xFFFFE800  }
0x143: {  	[hbm4b:s26+s2] =	stream.linear.scatter [tilespmem:s19], [sflag:$0x3], $0xCA00, $0x38;
	[tilespmem:$0x19740] =	vst v63  }
0x144: {  	_ =	swait.ge @!p1 [sflag:s25], $0xCA00  }
0x145: {  	s30 =	rddreg [dreg:$0x6];
	[sflag:s25] =	ssyncset.done @!p1 $0x0  }
0x146: {  	[sflag:s25] =	ssyncadd.s32 @!p1 $0xFFFF3600;
	s31 =	sadd.s32 s24, s30  }
0x147: {  	[tilespmem:s2], [sflag:$0x4] =	stream.strided.gather [hbm4b:s31+s6], $0x1A0, s7, s6, $0x38;
	[tilespmem:$0x19740] =	vst v63  }
0x148: {  	_ =	swait.ge [sflag:s8], $0x1A0  }
0x149: {  	s26 =	rddreg [dreg:$0x5];
	[sflag:s8] =	ssyncset.done $0x0  }
0x14a: {  	[sflag:s8] =	ssyncadd.s32 $0xFFFFFE60;
	s25 =	sadd.s32 s24, s26  }
0x14b: {  	[tilespmem:s9], [sflag:$0x4] =	stream.linear.gather [hbm4b:s25+s2], $0x60, $0x38;
	[tilespmem:$0x19740] =	vst v63  }
0x14c: {  	s28 =	sadd.s32 $0x19, s25  }
0x14d: {  	[tilespmem:s10], [sflag:$0x4] =	stream.linear.gather [hbm4b:s28+s2], $0x60, $0x38;
	[tilespmem:$0x19740] =	vst v63  }
0x14e: {  	s29 =	sadd.s32 $0x32, s25  }
0x14f: {  	[tilespmem:s11], [sflag:$0x4] =	stream.linear.gather [hbm4b:s29+s2], $0x60, $0x38;
	[tilespmem:$0x19740] =	vst v63  }
0x150: {  	s25 =	sadd.s32 $0x4B, s25  }
0x151: {  	[tilespmem:s12], [sflag:$0x4] =	stream.linear.gather [hbm4b:s25+s2], $0x60, $0x38;
	[tilespmem:$0x19740] =	vst v63  }
0x152: {  	_ =	swait.ge [sflag:s8], $0x180  }
0x153: {  	[sflag:s8] =	ssyncset.done $0x0  }
0x154: {  	s30 =	rddreg [dreg:$0x7];
	[sflag:s8] =	ssyncadd.s32 $0xFFFFFE80  }
0x155: {  	[tilespmem:s30], [sflag:$0x1] =	stream.indirect.gather [hbm4b:s3+s6], $0x40, s2, s6, $0xb8;
	[tilespmem:$0x19740] =	vst v63  }
0x156: {  	s31 =	rddreg [dreg:$0x8]  }
0x157: {  	[tilespmem:s31], [sflag:$0x1] =	stream.indirect.gather [hbm4b:s3+s13], $0x40, s9, s13, $0xb8;
	[tilespmem:$0x19740] =	vst v63  }
0x158: {  	s28 =	rddreg [dreg:$0x9]  }
0x159: {  	[tilespmem:s28], [sflag:$0x1] =	stream.indirect.gather [hbm4b:s3+s6], $0x40, s6, s6, $0xb8;
	[tilespmem:$0x19740] =	vst v63  }
0x15a: {  	s29 =	rddreg [dreg:$0xa]  }
0x15b: {  	[tilespmem:s29], [sflag:$0x1] =	stream.indirect.gather [hbm4b:s3+s13], $0x40, s10, s13, $0xb8;
	[tilespmem:$0x19740] =	vst v63  }
0x15c: {  	s30 =	rddreg [dreg:$0xb]  }
0x15d: {  	[tilespmem:s30], [sflag:$0x1] =	stream.indirect.gather [hbm4b:s3+s6], $0x40, s14, s6, $0xb8;
	[tilespmem:$0x19740] =	vst v63  }
0x15e: {  	s31 =	rddreg [dreg:$0xc]  }
0x15f: {  	[tilespmem:s31], [sflag:$0x1] =	stream.indirect.gather [hbm4b:s3+s13], $0x40, s11, s13, $0xb8;
	[tilespmem:$0x19740] =	vst v63  }
0x160: {  	s28 =	rddreg [dreg:$0xd]  }
0x161: {  	[tilespmem:s28], [sflag:$0x1] =	stream.indirect.gather [hbm4b:s3+s6], $0x40, s15, s6, $0xb8;
	[tilespmem:$0x19740] =	vst v63  }
0x162: {  	s29 =	rddreg [dreg:$0xe]  }
0x163: {  	[tilespmem:s29], [sflag:$0x1] =	stream.indirect.gather [hbm4b:s3+s13], $0x40, s12, s13, $0xb8;
	[tilespmem:$0x19740] =	vst v63  }
0x164: {  	_ =	swait.ge [sflag:s16], $0x1A00  }
0x165: {  	[sflag:s16] =	ssyncset.done $0x0  }
0x166: {  	[sflag:s16] =	ssyncadd.s32 $0xFFFFE600  }
0x167: {  	_ =	swait.ge [sflag:s16], $0x1800  }
0x168: {  	[sflag:s16] =	ssyncset.done $0x0  }
0x169: {  	[sflag:s16] =	ssyncadd.s32 $0xFFFFE800  }
0x16a: {  	_ =	swait.ge [sflag:s16], $0x1A00  }
0x16b: {  	[sflag:s16] =	ssyncset.done $0x0  }
0x16c: {  	[sflag:s16] =	ssyncadd.s32 $0xFFFFE600  }
0x16d: {  	_ =	swait.ge [sflag:s16], $0x1800  }
0x16e: {  	[sflag:s16] =	ssyncset.done $0x0  }
0x16f: {  	[sflag:s16] =	ssyncadd.s32 $0xFFFFE800  }
0x170: {  	_ =	swait.ge [sflag:s16], $0x1A00  }
0x171: {  	[sflag:s16] =	ssyncset.done $0x0  }
0x172: {  	[sflag:s16] =	ssyncadd.s32 $0xFFFFE600  }
0x173: {  	_ =	swait.ge [sflag:s16], $0x1800  }
0x174: {  	[sflag:s16] =	ssyncset.done $0x0  }
0x175: {  	[sflag:s16] =	ssyncadd.s32 $0xFFFFE800  }
0x176: {  	_ =	swait.ge [sflag:s16], $0x1A00  }
0x177: {  	[sflag:s16] =	ssyncset.done $0x0  }
0x178: {  	[sflag:s16] =	ssyncadd.s32 $0xFFFFE600  }
0x179: {  	_ =	swait.ge [sflag:s16], $0x1800  }
0x17a: {  	s31 =	sadd.s32 $0xFFFFE6C0, s23;
	[sflag:s16] =	ssyncset.done $0x0  }
0x17b: {  	s28 =	simm.s32 @!p1 $0x3;
	s30 =	rddreg [dreg:$0xf];
	[sflag:s16] =	ssyncadd.s32 $0xFFFFE800  }
0x17c: {  	[hbm4b:s31+s2] =	stream.linear.scatter [tilespmem:s30], [sflag:$0x2], $0xCA00, $0x38;
	[tilespmem:$0x19740] =	vst v63  }
0x17d: {  	_ =	swait.ge @!p1 [sflag:s28], $0xCA00  }
0x17e: {  	s26 =	rddreg [dreg:$0x4];
	[sflag:s28] =	ssyncset.done @!p1 $0x0  }
0x17f: {  	[sflag:s28] =	ssyncadd.s32 @!p1 $0xFFFF3600;
	s25 =	sadd.s32 s24, s26  }
0x180: {  	[tilespmem:s2], [sflag:$0x4] =	stream.strided.gather [hbm4b:s25+s6], $0x1A0, s7, s6, $0x38;
	[tilespmem:$0x19740] =	vst v63  }
0x181: {  	_ =	swait.ge [sflag:s8], $0x1A0  }
0x182: {  	s29 =	rddreg [dreg:$0x3];
	[sflag:s8] =	ssyncset.done $0x0  }
0x183: {  	[sflag:s8] =	ssyncadd.s32 $0xFFFFFE60;
	s30 =	sadd.s32 s24, s29  }
0x184: {  	[tilespmem:s9], [sflag:$0x4] =	stream.linear.gather [hbm4b:s30+s2], $0x60, $0x38;
	[tilespmem:$0x19740] =	vst v63  }
0x185: {  	s25 =	sadd.s32 $0x19, s30  }
0x186: {  	[tilespmem:s10], [sflag:$0x4] =	stream.linear.gather [hbm4b:s25+s2], $0x60, $0x38;
	[tilespmem:$0x19740] =	vst v63  }
0x187: {  	s31 =	sadd.s32 $0x32, s30  }
0x188: {  	[tilespmem:s11], [sflag:$0x4] =	stream.linear.gather [hbm4b:s31+s2], $0x60, $0x38;
	[tilespmem:$0x19740] =	vst v63  }
0x189: {  	s24 =	sadd.s32 $0x4B, s30  }
0x18a: {  	[tilespmem:s12], [sflag:$0x4] =	stream.linear.gather [hbm4b:s24+s2], $0x60, $0x38;
	[tilespmem:$0x19740] =	vst v63  }
0x18b: {  	_ =	swait.ge [sflag:s8], $0x180  }
0x18c: {  	[sflag:s8] =	ssyncset.done $0x0  }
0x18d: {  	s25 =	rddreg [dreg:$0x10];
	[sflag:s8] =	ssyncadd.s32 $0xFFFFFE80  }
0x18e: {  	[tilespmem:s25], [sflag:$0x1] =	stream.indirect.gather [hbm4b:s3+s6], $0x40, s2, s6, $0xb8;
	[tilespmem:$0x19740] =	vst v63  }
0x18f: {  	s26 =	rddreg [dreg:$0x11]  }
0x190: {  	[tilespmem:s26], [sflag:$0x1] =	stream.indirect.gather [hbm4b:s3+s13], $0x40, s9, s13, $0xb8;
	[tilespmem:$0x19740] =	vst v63  }
0x191: {  	s28 =	rddreg [dreg:$0x12]  }
0x192: {  	[tilespmem:s28], [sflag:$0x1] =	stream.indirect.gather [hbm4b:s3+s6], $0x40, s6, s6, $0xb8;
	[tilespmem:$0x19740] =	vst v63  }
0x193: {  	s29 =	rddreg [dreg:$0x13]  }
0x194: {  	[tilespmem:s29], [sflag:$0x1] =	stream.indirect.gather [hbm4b:s3+s13], $0x40, s10, s13, $0xb8;
	[tilespmem:$0x19740] =	vst v63  }
0x195: {  	s30 =	rddreg [dreg:$0x14]  }
0x196: {  	[tilespmem:s30], [sflag:$0x1] =	stream.indirect.gather [hbm4b:s3+s6], $0x40, s14, s6, $0xb8;
	[tilespmem:$0x19740] =	vst v63  }
0x197: {  	s31 =	rddreg [dreg:$0x15]  }
0x198: {  	[tilespmem:s31], [sflag:$0x1] =	stream.indirect.gather [hbm4b:s3+s13], $0x40, s11, s13, $0xb8;
	[tilespmem:$0x19740] =	vst v63  }
0x199: {  	_ = 	snop  }
0x19a: {  	[tilespmem:s17], [sflag:$0x1] =	stream.indirect.gather [hbm4b:s3+s6], $0x40, s15, s6, $0xb8;
	[tilespmem:$0x19740] =	vst v63  }
0x19b: {  	_ = 	snop  }
0x19c: {  	[tilespmem:s18], [sflag:$0x1] =	stream.indirect.gather [hbm4b:s3+s13], $0x40, s12, s13, $0xb8;
	[tilespmem:$0x19740] =	vst v63  }
0x19d: {  	_ =	swait.ge [sflag:s16], $0x1A00  }
0x19e: {  	[sflag:s16] =	ssyncset.done $0x0  }
0x19f: {  	[sflag:s16] =	ssyncadd.s32 $0xFFFFE600  }
0x1a0: {  	_ =	swait.ge [sflag:s16], $0x1800  }
0x1a1: {  	[sflag:s16] =	ssyncset.done $0x0  }
0x1a2: {  	[sflag:s16] =	ssyncadd.s32 $0xFFFFE800  }
0x1a3: {  	_ =	swait.ge [sflag:s16], $0x1A00  }
0x1a4: {  	[sflag:s16] =	ssyncset.done $0x0  }
0x1a5: {  	[sflag:s16] =	ssyncadd.s32 $0xFFFFE600  }
0x1a6: {  	_ =	swait.ge [sflag:s16], $0x1800  }
0x1a7: {  	[sflag:s16] =	ssyncset.done $0x0  }
0x1a8: {  	[sflag:s16] =	ssyncadd.s32 $0xFFFFE800  }
0x1a9: {  	_ =	swait.ge [sflag:s16], $0x1A00  }
0x1aa: {  	[sflag:s16] =	ssyncset.done $0x0  }
0x1ab: {  	[sflag:s16] =	ssyncadd.s32 $0xFFFFE600  }
0x1ac: {  	_ =	swait.ge [sflag:s16], $0x1800  }
0x1ad: {  	[sflag:s16] =	ssyncset.done $0x0  }
0x1ae: {  	[sflag:s16] =	ssyncadd.s32 $0xFFFFE800  }
0x1af: {  	_ =	swait.ge [sflag:s16], $0x1A00  }
0x1b0: {  	[sflag:s16] =	ssyncset.done $0x0  }
0x1b1: {  	[sflag:s16] =	ssyncadd.s32 $0xFFFFE600  }
0x1b2: {  	_ =	swait.ge [sflag:s16], $0x1800  }
0x1b3: {  	[sflag:s16] =	ssyncset.done $0x0  }
0x1b4: {  	s22 =	sadd.s32 $0x1, s22;
	[sflag:s16] =	ssyncadd.s32 $0xFFFFE800  }
0x1b5: {  	[hbm4b:s23+s2] =	stream.linear.scatter [tilespmem:s19], [sflag:$0x3], $0xCA00, $0x38;
	[tilespmem:$0x19740] =	vst v63  }
0x1b6: {  	p0 =	sne.s32 s22, s4;
	_ =	swait.ge [sflag:s20], $0xCA00  }
.Ltmp1:
0x1b7: {  	[sflag:s20] =	ssyncset.done $0x0;
	(pc) =	sbr.rel @p0 .LBB2_1-.Ltmp1, $4  }
0x1b8: {  	[sflag:s20] =	ssyncadd.s32 $0xFFFF3600  }
0x1b9: {  	_ =	swait.ge [sflag:s21], $0xCA00  }
0x1ba: {  	[sflag:s21] =	ssyncset.done $0x0  }
0x1bb: {  	[sflag:s21] =	ssyncadd.s32 $0xFFFF3600  }
0x1bc: {  	_ =	sfence.sel $0x180000  }
0x1bd: {  	[bflag:$0x0] =	sbarrier.arrive $0xFFFF  }
0x1be: {  	p0 =	sne.s32 s1, $0x0;
	_ =	strace $0x90000047  }
0x1bf: {  	s0 =	sadd.s32 @!p0 $0x100000, s0;
	[bflag:$0x2] =	sbarrier.arrive $0xFFFF  }
0x1c0: {  	[sflag:s0] =	ssyncadd.tile.s32 @!p0 $0x1;
	_ =	shalt  }
.Lfunc_end2:
_tile_overlayer_lowered:
.L_overlay_start_2:
0x1c1: {  	(tag) =	ssettag $0x2  }
0x1c2: {  	s0 =	rddreg [dreg:$0x0];
	s2 =	stileid.u32  }
0x1c3: {  	s1 =	rddreg [dreg:$0x1];
	p0 =	sne.s32 s2, $0x0  }
0x1c4: {  	s3 =	rddreg [dreg:$0x2];
	[bflag:$0x3] =	sbarrier.arrive $0xFFFF;
	s2 =	simm.s32 @!p0 $0x1C04  }
0x1c5: {  	[timem:s3], [sflag:s2] =	dma.local @!p0 [hbm:s0], s1  }
0x1c6: {  	s0 =	simm.s32 @!p0 $0x4  }
0x1c7: {  	_ =	swait.ge @!p0 [sflag:s0], s1  }
0x1c8: {  	s1 =	ssub.s32 @!p0 $0x0, s1;
	[sflag:s0] =	ssyncset.done @!p0 $0x0  }
0x1c9: {  	[sflag:s0] =	ssyncadd.s32 @!p0 s1  }
0x1ca: {  	[bflag:$0x3] =	sbarrier.arrive $0xFFFF  }
0x1cb: {  	_ =	shalt  }

// kernel: sparse-core-data-format-call.cloned.1.call-start
scs
called_computation_lowered:
.L_overlay_start_0:
0x0: {  	s2 =	sld [smem:$0x3FD9]  }
0x1: {  	s3 =	sld [smem:$0x3FFE];
	_ =	sdelay $0x1  }
0x2: {  	s1 =	srdreg.scid  }
0x3: {  	s0 =	sand.u32 $0x1, s1  }
0x4: {  	s15 =	sshll.u32 s0, $0xA;
	s2 =	sadd.s32 s3, s2  }
0x5: {  	s2 =	sadd.s32 s2, s15  }
0x6: {  	[smem:$0x3FC6] =	sst s2  }
0x7: {  	_ = 	snop  }
0x8: {  	s2 =	sld [smem:$0x3FD0];
	_ =	sdelay $0x2  }
0x9: {  	s16 =	simm.s32 $0xA;
	s4 =	simm.s32 $0x10  }
0xa: {  	[smem:s4], [sflag:s16] =	dma.local [hbm:s2], $0x1  }
0xb: {  	_ =	swait.eq [sflag:s16], $0x1  }
0xc: {  	[sflag:s16] =	ssyncset.done $0x0  }
0xd: {  	[sflag:s16] =	ssyncadd.s32 $0xFFFFFFFF  }
0xe: {  	s17 =	sld [smem:$0x10];
	(tm) =	ssettm $0x1  }
0xf: {  	s18 =	sld [smem:$0x3FFB];
	_ =	sdelay $0x3  }
0x10: {  	_ =	strace s18  }
0x11: {  	s3 =	sld [smem:$0x3FFC];
	_ =	sdelay $0x3  }
0x12: {  	_ =	strace s3  }
0x13: {  	s3 =	sld [smem:$0x3FFD];
	_ =	sdelay $0x3  }
0x14: {  	_ =	strace s3  }
0x15: {  	_ =	strace $0x8FFFFFFF  }
0x16: {  	s19 =	sld [smem:$0x3FDB];
	_ =	sdelay $0x1  }
0x17: {  	s20 =	simm.s32 $_scs_section_size  }
0x18: {  	s5 =	simm.s32 $_size__tile_overlayer_lowered;
	s6 =	simm.s32 $_tile_overlayer_lowered  }
0x19: {  	s23 =	simm.s32 $0x1BFF;
	s22 =	sshll.u32 s6, $0x1;
	s3 =	sadd.s32 s20, s19  }
0x1a: {  	s7 =	simm.s32 $0x0;
	s21 =	sshll.u32 s5, $0x1;
	s5 =	sadd.s32 s22, s3  }
0x1b: {  	[timem:s7], [sflag:s23] =	dma.local [hbm:s5], s21  }
0x1c: {  	_ =	swait.ge [sflag:s23], s21  }
0x1d: {  	s4 =	ssub.s32 $0x0, s21;
	[sflag:s23] =	ssyncset.done $0x0  }
0x1e: {  	[sflag:s23] =	ssyncadd.s32 s4;
	_ =	sdelay $0x1  }
0x1f: {  	s24 =	simm.s32 $0x1B8B  }
0x20: {  	_ =	swait.ge [sflag:s24], $0x1  }
0x21: {  	[sflag:s24] =	ssyncset.done $0x0  }
0x22: {  	s26 =	simm.s32 $0x1B8E;
	s25 =	sld [smem:$0x3FFE];
	[sflag:s24] =	ssyncadd.s32 $0xFFFFFFFF  }
0x23: {  	s27 =	simm.s32 $execute0_lowered;
	[smem:$0x3FD2] =	sst s26  }
0x24: {  	s5 =	sshll.u32 s27, $0x1;
	_ =	strace $0x80000049;
	[dreg:$0x1] =	wrdreg $0xFFFFFFFF  }
0x25: {  	s28 =	simm.s32 $_size_execute0_lowered;
	s3 =	sadd.s32 s3, s5;
	[dreg:$0x0] =	wrdreg $0x0  }
0x26: {  	s5 =	sshll.u32 s28, $0x1;
	[dreg:$0x2] =	wrdreg s3  }
0x27: {  	[dreg:$0x3] =	wrdreg s5  }
0x28: {  	[dreg:$0x4] =	wrdreg $0xC0  }
0x29: {  	_ =	task [dreg:s7], $0x5FFFF  }
0x2a: {  	[dreg:$0x1] =	wrdreg $0xFFFFFFFF  }
0x2b: {  	[dreg:$0x0] =	wrdreg $0x60  }
0x2c: {  	[dreg:$0x2] =	wrdreg s25  }
0x2d: {  	[dreg:$0x3] =	wrdreg s17  }
0x2e: {  	[dreg:$0x4] =	wrdreg $0x9  }
0x2f: {  	_ =	task.clear_ibuf [dreg:s7], $0x5FFFF;
	_ =	strace $0x90000049  }
0x30: {  	s29 =	simm.s32 $0x9;
	_ =	strace $0x8000004B  }
0x31: {  	_ =	swait.ge [sflag:s29], $0x1  }
0x32: {  	[sflag:s29] =	ssyncadd.s32 $0xFFFFFFFF  }
0x33: {  	_ =	strace $0x9000004B  }
0x34: {  	_ =	sfence  }
0x35: {  	s30 =	sld [smem:$0x0];
	_ =	sdelay $0x2  }
0x36: {  	s31 =	sshll.u32 s1, $0xD;
	s1 =	sshrl.u32 s1, $0x2  }
0x37: {  	s3 =	sand.u32 $0x4000, s31;
	s1 =	sadd.s32 s1, s30  }
0x38: {  	s0 =	sor.u32 s3, s0;
	s1 =	sshll.u32 s1, $0x11  }
0x39: {  	s0 =	sor.u32 s1, s0  }
0x3a: {  	s0 =	sadd.s32 $0x8F2B, s0  }
0x3b: {  	[sflag:s0] =	ssyncadd.remote.s32 $0x1  }
0x3c: {  	_ =	sfence.sel $0xFFFF  }
0x3d: {  	[dreg:$0x0] =	wrdreg $0xFFFFFFFF;
	(pc) =	sbr.abs _section_cstart, $3  }
0x3e: {  	[dreg:$0x1] =	wrdreg $0xFFFFFFFF  }
0x3f: {  	_ =	task.clear_ibuf [dreg:s7], $0x2FFFF;
	_ =	strace $0x9FFFFFFF  }
0x40: {  	(tm) =	ssettm $0x7FFFFFFF  }
0x41: {  	_ =	shalt  }
tec
execute0_lowered:
.L_overlay_start_1:
0x0: {  	(tag) =	ssettag $0x1  }
0x1: {  	s0 =	srdreg.scid  }
0x2: {  	s1 =	sshll.u32 s0, $0x4  }
0x3: {  	s0 =	stileid.u32;
	s1 =	sand.u32 $0x10, s1  }
0x4: {  	s1 =	sor.u32 s0, s1  }
0x5: {  	s6 =	rddreg [dreg:$0x0];
	s4 =	simm.s32 $0x1;
	s2 =	sshll.u32 s1, $0x7  }
0x6: {  	s7 =	simm.s32 $0x2;
	s12 =	simm.s32 $0x0;
	s1 =	ssub.s32 $0x1000, s2  }
0x7: {  	s8 =	simm.s32 $0x8000;
	s13 =	simm.s32 $0x0;
	s3 =	sand.u32 $0xF80, s1  }
0x8: {  	s9 =	simm.s32 $0x0;
	s5 =	sshrl.u32 s1, $0xC;
	p0 =	sne.s32 s3, $0x0  }
.Ltmp0:
0x9: {  	s1 =	rddreg [dreg:$0x2];
	s4 =	simm.s32 @!p0 $0x0;
	(pc) =	sbr.rel .LBB1_1-.Ltmp0, $4  }
0xa: {  	s11 =	simm.s32 $0x0;
	s3 =	rddreg [dreg:$0x1];
	s5 =	sadd.s32 s4, s5  }
0xb: {  	_ =	strace $0x8000004A;
	s4 =	simm.s32 $0x1;
	s5 =	smul.u32 $0xCA, s5  }
0xc: {  	s6 =	sadd.s32 $0xA00, s6;
	s10 =	smov.u32 s2;
	[sflag:s4] =	ssyncpa.u1 $0x0  }
0xd: {  	p0 =	por $0x0, $0x0;
	[sflag:s7] =	ssyncpa.u1 $0x0;
	s7 =	sor.u32 $0x1, s5  }
.LBB1_4:
0xe: {  	s16 =	sshll.u32 s13, $0x3;
	s17 =	sand.u32 $0x78, s13  }
0xf: {  	s30 =	sand.u32 $0x7E00, s13;
	s12 =	sshll.u32 s12, $0xF;
	s16 =	sand.u32 $0xC00, s16  }
0x10: {  	[tilespmem:s15+$0x810 ss:$0x81] =	vst.msk $0xffff, v2;
	s31 =	sand.u32 $0x7, s13;
	s16 =	sor.u32 s17, s16;
	s17 =	sadd.s32 s3, s30  }
0x11: {  	[tilespmem:s15+$0x1020 ss:$0x81] =	vst.msk $0xffff, v0;
	s13 =	sshll.u32 s31, $0x12;
	s12 =	sadd.s32 s12, s17;
	s16 =	sshrl.u32 s16, $0x3  }
0x12: {  	[tilespmem:s15+$0x0 ss:$0x81] =	vst.msk $0xffff, v1;
	s13 =	sor.u32 $0x400, s13;
	s12 =	sadd.s32 s16, s12  }
0x13: {  	[hbm4b:s12+s13] =	stream.strided.scatter [tilespmem:s14], [sflag:$0x2], $0x2000, s8, s13, $0x20;
	[tilespmem:$0x8080] =	vst v63  }
.LBB1_5:
0x14: {  	s14 =	sadd.s32 $0x1, s9  }
0x15: {  	s12 =	sadd.s32 $0x1000, s10;
	s16 =	smov.u32 s10;
	p2 =	sgt.s32 s14, $0xC9  }
0x16: {  	s16 =	smov.u32 @p2 s12  }
0x17: {  	s14 =	simm.s32 @p2 $0x0;
	p2 =	sgt.s32 s16, $0xFFF  }
0x18: {  	s16 =	smov.u32 @p2 s2;
	p2 =	sne.s32 s11, s7  }
.Ltmp1:
0x19: {  	p1 =	slt.u32 s11, $0x2;
	(pc) =	sbr.rel @!p2 .LBB1_6-.Ltmp1, $4  }
0x1a: {  	s15 =	simm.s32 @!p1 $0x2  }
0x1b: {  	s13 =	smov.u32 s10;
	p0 =	por !p0, !p0;
	_ =	swait.ge @!p1 [sflag:s15], $0x2000  }
0x1c: {  	s12 =	smov.u32 s9;
	[sflag:s15] =	ssyncset.done @!p1 $0x0;
	s9 =	smov.u32 s14  }
0x1d: {  	s11 =	sadd.s32 $0x1, s11;
	[sflag:s15] =	ssyncadd.s32 @!p1 $0xFFFFE000;
	s10 =	smov.u32 s16  }
.LBB1_1:
0x1e: {  	p1 =	sge.u32 s11, s5  }
0x1f: {  	s14 =	sand.u32 @!p1 $0x1FFFFFF, s9  }
0x20: {  	s15 =	smulhi.u32 @!p1 $0x2762763, s14;
	_ =	sdelay $0x1  }
0x21: {  	s15 =	sshrl.u32 @!p1 s15, $0x1  }
0x22: {  	s15 =	smul.u32 @!p1 $0xD0, s15  }
0x23: {  	s16 =	sxor.u32 @!p1 $0xFFFFFFFF, s11;
	s17 =	smul.u32 @!p1 $0xD00, s10  }
0x24: {  	s31 =	sadd.s32 $0xFFFFFFFF, s11;
	s16 =	sshll.u32 @!p1 s16, $0xD;
	s14 =	ssub.s32 @!p1 s14, s15  }
0x25: {  	s15 =	sand.u32 @!p1 $0x2000, s16;
	s16 =	sadd.s32 @!p1 s6, s17;
	s14 =	sshll.u32 @!p1 s14, $0x4  }
0x26: {  	s17 =	simm.s32 @!p1 $0x6800;
	s14 =	sadd.s32 @!p1 s14, s16;
	s16 =	simm.s32 @!p1 $0x40  }
0x27: {  	[tilespmem:s15], [sflag:$0x1] =	stream.strided.gather @!p1 [hbm4b:s14+s16], $0x2000, s17, s16, $0x38;
	[tilespmem:$0x8080] =	vst v63  }
0x28: {  	p1 =	sge.u32 s31, s5  }
.Ltmp2:
0x29: {  	_ = 	snop;
	(pc) =	sbr.rel @p1 .LBB1_5-.Ltmp2, $1  }
0x2a: {  	_ =	sdelay $0x3  }
0x2b: {  	s14 =	simm.s32 $0x1  }
0x2c: {  	_ =	swait.ge [sflag:s4], $0x2000;
	s14 =	simm.s32 @!p0 $0x0  }
0x2d: {  	[sflag:s4] =	ssyncset.done $0x0;
	s15 =	sshll.u32 s14, $0xD  }
0x2e: {  	[sflag:s4] =	ssyncadd.s32 $0xFFFFE000;
	s18 =	sor.u32 $0x20, s15  }
0x2f: {  	s14 =	smul.u32 $0x8100, s14;
	v3 =	vld [tilespmem:s18+$0x10]  }
0x30: {  	s30 =	sand.u32 $0x1, s11;
	v2 =	vld [tilespmem:s18+$0xFFFFFFF0]  }
0x31: {  	s15 =	smul.u32 $0x8100, s30;
	s14 =	sshrl.u32 s14, $0x2;
	v0 =	vld [tilespmem:s18+$0x0]  }
0x32: {  	v1 =	vld [tilespmem:s18+$0xFFFFFFE0];
	s16 =	sor.u32 $0x4000, s14  }
0x33: {  	s31 =	sshrl.u32 s15, $0x2;
	s15 =	sadd.s32 $0x0, s16  }
0x34: {  	s17 =	simm.s32 $0x4;
	s18 =	sadd.s32 $0x40, s18;
	s14 =	sor.u32 $0x4000, s31;
	[tilespmem:s15+$0x1830 ss:$0x81] =	vst.msk $0xffff, v3  }
.LBB1_3:
0x35: {  	v3 =	vld [tilespmem:s18+$0x10];
	p1 =	sne.s32 s17, $0x1FC;
	[tilespmem:s15+$0x810 ss:$0x81] =	vst.msk $0xffff, v2;
	s19 =	smov.u32 s17;
	s17 =	sadd.s32 $0x4, s17  }
.Ltmp3:
0x36: {  	v2 =	vld [tilespmem:s18+$0xFFFFFFF0];
	[tilespmem:s15+$0x1020 ss:$0x81] =	vst.msk $0xffff, v0;
	(pc) =	sbr.rel @p1 .LBB1_3-.Ltmp3, $4  }
0x37: {  	v0 =	vld [tilespmem:s18+$0x0];
	[tilespmem:s15+$0x0 ss:$0x81] =	vst.msk $0xffff, v1  }
0x38: {  	s15 =	sshra.s32 s19, $0x2;
	v1 =	vld [tilespmem:s18+$0xFFFFFFE0]  }
0x39: {  	s15 =	sadd.s32 s15, s16  }
0x3a: {  	s18 =	sadd.s32 $0x40, s18;
	[tilespmem:s15+$0x1830 ss:$0x81] =	vst.msk $0xffff, v3  }
.Ltmp4:
0x3b: {  	_ = 	snop;
	(pc) =	sbr.rel .LBB1_4-.Ltmp4, $1  }
0x3c: {  	_ =	sdelay $0x3  }
.LBB1_6:
0x3d: {  	_ =	sfence.sel $0x180000  }
0x3e: {  	s2 =	simm.s32 $0x1;
	[bflag:$0x0] =	sbarrier.arrive $0xFFFF  }
0x3f: {  	s31 =	simm.s32 $0x2;
	[sflag:s2] =	ssyncpa.u1 $0x1  }
0x40: {  	[sflag:s31] =	ssyncpa.u1 $0x1  }
0x41: {  	p0 =	sne.s32 s0, $0x0;
	_ =	strace $0x9000004A  }
0x42: {  	s0 =	sadd.s32 @!p0 $0x100000, s1;
	[bflag:$0x2] =	sbarrier.arrive $0xFFFF  }
0x43: {  	[sflag:s0] =	ssyncadd.tile.s32 @!p0 $0x1;
	_ =	shalt  }
.Lfunc_end1:
_tile_overlayer_lowered:
.L_overlay_start_2:
0x44: {  	(tag) =	ssettag $0x2  }
0x45: {  	s0 =	rddreg [dreg:$0x0];
	s2 =	stileid.u32  }
0x46: {  	s1 =	rddreg [dreg:$0x1];
	p0 =	sne.s32 s2, $0x0  }
0x47: {  	s3 =	rddreg [dreg:$0x2];
	[bflag:$0x3] =	sbarrier.arrive $0xFFFF;
	s2 =	simm.s32 @!p0 $0x1C01  }
0x48: {  	[timem:s3], [sflag:s2] =	dma.local @!p0 [hbm:s0], s1  }
0x49: {  	s0 =	simm.s32 @!p0 $0x1  }
0x4a: {  	_ =	swait.ge @!p0 [sflag:s0], s1  }
0x4b: {  	s1 =	ssub.s32 @!p0 $0x0, s1;
	[sflag:s0] =	ssyncset.done @!p0 $0x0  }
0x4c: {  	[sflag:s0] =	ssyncadd.s32 @!p0 s1  }
0x4d: {  	[bflag:$0x3] =	sbarrier.arrive $0xFFFF  }
0x4e: {  	_ =	shalt  }

</sc_bundles>
